<compile_context>
chip_gen: v7x
topology: tpu7x:2x2x1
jax: 0.10.2.dev20260603
libtpu: 0.0.44.dev20260713+nightly
codegen_flags: <defaults>
</compile_context>

<pallas_src>
import functools

import jax
import jax.numpy as jnp
from jax import lax
from jax.experimental import pallas as pl
from jax.experimental.pallas import tpu as pltpu
from jax.experimental.pallas import tpu_sc as plsc

BATCH = 16384
FIELDS = 26
FEATURES = 32

NUM_CORES = 2
NUM_SUBCORES = 16
NUM_WORKERS = NUM_CORES * NUM_SUBCORES
BTILES = BATCH // 128
BT_PER_WORKER = BTILES // NUM_WORKERS
NUNITS = FIELDS
ROWS = BT_PER_WORKER * 128
NBUF = 2


@functools.partial(
    pl.kernel,
    mesh=plsc.VectorSubcoreMesh(core_axis_name="c", subcore_axis_name="s"),
    compiler_params=pltpu.CompilerParams(use_tc_tiling_on_sc=False),
    out_type=jax.ShapeDtypeStruct((FIELDS, BATCH, FEATURES), jnp.float32),
    scratch_types=[
        pltpu.VMEM((NBUF, ROWS), jnp.int32),
        pltpu.VMEM((NBUF, ROWS, FEATURES), jnp.float32),
        pltpu.VMEM((ROWS, FEATURES), jnp.float32),
        pltpu.SemaphoreType.DMA((NBUF,)),
        pltpu.SemaphoreType.DMA((NBUF,)),
        pltpu.SemaphoreType.DMA((NBUF,)),
    ],
)
def _sc_gather(idxt_hbm, table_hbm, out_hbm, list_v, rows_v, dummy_v,
               isem, gsem, wsem):
    wid = lax.axis_index("s") * NUM_CORES + lax.axis_index("c")
    t0 = wid * BT_PER_WORKER

    def start_idx(u, b):
        return pltpu.async_copy(
            idxt_hbm.at[pl.ds(u * BATCH + t0 * 128, ROWS)],
            list_v.at[b],
            isem.at[b],
        )

    def start_gather(b):
        return pltpu.async_copy(
            table_hbm.at[list_v.at[b]], rows_v.at[b], gsem.at[b]
        )

    def start_write(u, b):
        return pltpu.async_copy(
            rows_v.at[b],
            out_hbm.at[u, pl.ds(t0 * 128, ROWS)],
            wsem.at[b],
        )

    def drain_write(b):
        pltpu.make_async_copy(
            dummy_v, out_hbm.at[0, pl.ds(0, ROWS)], wsem.at[b]
        ).wait()

    def scale_list(b):
        for g in range(ROWS // 16):
            v = list_v[b, pl.ds(g * 16, 16)]
            list_v[b, pl.ds(g * 16, 16)] = v * 4

    def body(i, carry):
        u0 = i * NBUF
        idx_dmas = []
        for b in range(NBUF):
            @pl.when(i > 0)
            def _():
                drain_write(b)
            idx_dmas.append(start_idx(u0 + b, b))
        gathers = []
        for b in range(NBUF):
            idx_dmas[b].wait()
            scale_list(b)
            gathers.append(start_gather(b))
        for b in range(NBUF):
            gathers[b].wait()
            start_write(u0 + b, b)
        return carry

    lax.fori_loop(0, NUNITS // NBUF, body, 0)
    for b in range(NBUF):
        drain_write(b)


def kernel(inputs, embedding):
    idxt = inputs.T.reshape(-1)
    emb_pad = jnp.concatenate(
        [embedding, jnp.zeros((1000000, 96), jnp.float32)], axis=1
    ).reshape(4000000, 32)
    out3 = _sc_gather(idxt, emb_pad)
    return jnp.swapaxes(out3, 0, 1)

# --- scband reference (transcript-rebuilt; emitter-appended) ---
"""Pipeline reference for scband-embedding-41755672052408 (READ-ONLY COPY).

The authoritative reference and input builder live on the scoring server;
editing this copy changes nothing except your own understanding.
"""

import jax, jax.numpy as jnp
import numpy as np

NUM_EMBEDDINGS = 1000000
FEATURES = 32
BATCH = 16384
FIELDS = 26

def setup_inputs(seed: int = 0) -> dict:
    key = jax.random.key(seed)
    k_idx, k_emb = jax.random.split(key)
    inputs = jax.random.randint(k_idx, (BATCH, FIELDS), 0, NUM_EMBEDDINGS, dtype=jnp.int64 if jax.config.jax_enable_x64 else jnp.int32)
    embedding = jax.random.normal(k_emb, (NUM_EMBEDDINGS, FEATURES), dtype=jnp.float32) * 0.1
    return {"inputs": inputs, "embedding": embedding}

def reference(inputs, embedding):
    return jnp.take(embedding, inputs, axis=0)

if __name__ == "__main__":
    import jax
    _d = setup_inputs()
    print(jax.jit(kernel)(*tuple(_d.values())))

</pallas_src>

<mosaic_0001>
#map = affine_map<(d0, d1) -> (0)>
#map1 = affine_map<(d0, d1) -> (0, 0)>
#map2 = affine_map<(d0, d1) -> (0, 0, 0)>
module attributes {stable_mosaic.version = 14 : i64} {
  func.func @_sc_gather(%arg0: i32, %arg1: i32, %arg2: memref<425984xi32, #tpu.memory_space<hbm>>, %arg3: memref<4000000x32xf32, #tpu.memory_space<hbm>>, %arg4: memref<26x16384x32xf32, #tpu.memory_space<hbm>>, %arg5: memref<2x512xi32, #tpu.memory_space<vmem>>, %arg6: memref<2x512x32xf32, #tpu.memory_space<vmem>>, %arg7: memref<512x32xf32, #tpu.memory_space<vmem>>, %arg8: memref<2x!tpu.dma_semaphore, #tpu.memory_space<semaphore_mem>>, %arg9: memref<2x!tpu.dma_semaphore, #tpu.memory_space<semaphore_mem>>, %arg10: memref<2x!tpu.dma_semaphore, #tpu.memory_space<semaphore_mem>>) attributes {dimension_semantics = [#tpu.dimension_semantics<core_parallel>, #tpu.dimension_semantics<subcore_parallel>], iteration_bounds = array<i64: 2, 16>, scalar_prefetch = 0 : i64, scratch_operands = 6 : i64, tpu.core_type = #tpu.core_type<sc_vector_subcore>, window_params = [{transform_indices = #map}, {transform_indices = #map1}, {transform_indices = #map2}]} {
    %mul3A = arith.constant 2 : i32
    %mul3A_0 = arith.muli %arg1, %mul3A : i32
    %add3A = arith.addi %mul3A_0, %arg0 : i32
    %mul3A_1 = arith.constant 4 : i32
    %mul3A_2 = arith.muli %add3A, %mul3A_1 : i32
    %scan3A = arith.constant 0 : i32
    %scan3A_3 = arith.constant 0 : i32
    %scan3A_4 = arith.constant 13 : i32
    %scan3A_5 = arith.addi %scan3A_3, %scan3A_4 : i32
    %scan3A_6 = arith.constant 1 : i32
    scf.for %scan3A_31 = %scan3A_3 to %scan3A_5 step %scan3A_6  : i32 {
      %mul3A_32 = arith.constant 2 : i32
      %mul3A_33 = arith.muli %scan3A_31, %mul3A_32 : i32
      %gt3A = arith.constant 0 : i32
      %gt3A_34 = arith.cmpi sgt, %scan3A_31, %gt3A : i32
      %convert_element_type3A = arith.extui %gt3A_34 : i1 to i32
      %cond3A = arith.constant 0 : i32
      %cond3A_35 = arith.cmpi ne, %convert_element_type3A, %cond3A : i32
      scf.if %cond3A_35 {
        %dma_wait3A_1100 = arith.constant 0 : i32
        %dma_wait3A_1101 = arith.constant 0 : i32
        %dma_wait3A_1102 = arith.constant 0 : i32
        %dma_wait3A_1103 = arith.constant 0 : i32
        %dma_wait3A_1104 = tpu.memref_slice %arg4[%dma_wait3A_1100, %dma_wait3A_1102, %dma_wait3A_1103] : memref<26x16384x32xf32, #tpu.memory_space<hbm>> -> memref<1x512x32xf32, #tpu.memory_space<hbm>>
        %dma_wait3A_1105 = tpu.memref_squeeze %dma_wait3A_1104 : memref<1x512x32xf32, #tpu.memory_space<hbm>> -> memref<512x32xf32, #tpu.memory_space<hbm>>
        %dma_wait3A_1106 = tpu.memref_slice %arg10[%dma_wait3A_1101] : memref<2x!tpu.dma_semaphore, #tpu.memory_space<semaphore_mem>> -> memref<1x!tpu.dma_semaphore, #tpu.memory_space<semaphore_mem>>
        %dma_wait3A_1107 = tpu.memref_squeeze %dma_wait3A_1106 : memref<1x!tpu.dma_semaphore, #tpu.memory_space<semaphore_mem>> -> memref<!tpu.dma_semaphore, #tpu.memory_space<semaphore_mem>>
        %dma_wait3A_1108 = arith.constant 0 : i32
        %dma_wait3A_1109 = arith.constant 0 : i32
        %dma_wait3A_1110 = tpu.memref_slice %arg4[%dma_wait3A_1100, %dma_wait3A_1108, %dma_wait3A_1109] : memref<26x16384x32xf32, #tpu.memory_space<hbm>> -> memref<1x512x32xf32, #tpu.memory_space<hbm>>
        %dma_wait3A_1111 = tpu.memref_squeeze %dma_wait3A_1110 : memref<1x512x32xf32, #tpu.memory_space<hbm>> -> memref<512x32xf32, #tpu.memory_space<hbm>>
        tpu.wait_dma2 semaphore(%dma_wait3A_1107 : memref<!tpu.dma_semaphore, #tpu.memory_space<semaphore_mem>>) src(%arg7 : memref<512x32xf32, #tpu.memory_space<vmem>>) dst(%dma_wait3A_1111 : memref<512x32xf32, #tpu.memory_space<hbm>>)
      } else {
      }
      %add3A_36 = arith.constant 0 : i32
      %add3A_37 = arith.addi %mul3A_33, %add3A_36 : i32
      %mul3A_38 = arith.constant 16384 : i32
      %mul3A_39 = arith.muli %add3A_37, %mul3A_38 : i32
      %mul3A_40 = arith.constant 128 : i32
      %mul3A_41 = arith.muli %mul3A_2, %mul3A_40 : i32
      %add3A_42 = arith.addi %mul3A_39, %mul3A_41 : i32
      %dma_start3A = arith.constant 0 : i32
      %dma_start3A_43 = arith.constant 0 : i32
      %dma_start3A_44 = arith.constant 0 : i32
      %dma_start3A_45 = tpu.memref_slice %arg5[%dma_start3A, %dma_start3A_44] : memref<2x512xi32, #tpu.memory_space<vmem>> -> memref<1x512xi32, #tpu.memory_space<vmem>>
      %dma_start3A_46 = tpu.memref_squeeze %dma_start3A_45 : memref<1x512xi32, #tpu.memory_space<vmem>> -> memref<512xi32, #tpu.memory_space<vmem>>
      %dma_start3A_47 = tpu.memref_slice %arg2[%add3A_42] : memref<425984xi32, #tpu.memory_space<hbm>> -> memref<512xi32, #tpu.memory_space<hbm>>
      %dma_start3A_48 = tpu.memref_slice %arg8[%dma_start3A_43] : memref<2x!tpu.dma_semaphore, #tpu.memory_space<semaphore_mem>> -> memref<1x!tpu.dma_semaphore, #tpu.memory_space<semaphore_mem>>
      %dma_start3A_49 = tpu.memref_squeeze %dma_start3A_48 : memref<1x!tpu.dma_semaphore, #tpu.memory_space<semaphore_mem>> -> memref<!tpu.dma_semaphore, #tpu.memory_space<semaphore_mem>>
      %dma_start3A_50 = arith.constant 0 : i32
      %dma_start3A_51 = tpu.memref_slice %arg5[%dma_start3A, %dma_start3A_50] : memref<2x512xi32, #tpu.memory_space<vmem>> -> memref<1x512xi32, #tpu.memory_space<vmem>>
      %dma_start3A_52 = tpu.memref_squeeze %dma_start3A_51 : memref<1x512xi32, #tpu.memory_space<vmem>> -> memref<512xi32, #tpu.memory_space<vmem>>
      %dma_start3A_53 = tpu.memref_slice %arg2[%add3A_42] : memref<425984xi32, #tpu.memory_space<hbm>> -> memref<512xi32, #tpu.memory_space<hbm>>
      tpu.enqueue_dma source(%dma_start3A_53 : memref<512xi32, #tpu.memory_space<hbm>>) target(%dma_start3A_52 : memref<512xi32, #tpu.memory_space<vmem>>) target_semaphore(%dma_start3A_49 : memref<!tpu.dma_semaphore, #tpu.memory_space<semaphore_mem>>)
      %gt3A_54 = arith.constant 0 : i32
      %gt3A_55 = arith.cmpi sgt, %scan3A_31, %gt3A_54 : i32
      %convert_element_type3A_56 = arith.extui %gt3A_55 : i1 to i32
      %cond3A_57 = arith.constant 0 : i32
      %cond3A_58 = arith.cmpi ne, %convert_element_type3A_56, %cond3A_57 : i32
      scf.if %cond3A_58 {
        %dma_wait3A_1100 = arith.constant 0 : i32
        %dma_wait3A_1101 = arith.constant 1 : i32
        %dma_wait3A_1102 = arith.constant 0 : i32
        %dma_wait3A_1103 = arith.constant 0 : i32
        %dma_wait3A_1104 = tpu.memref_slice %arg4[%dma_wait3A_1100, %dma_wait3A_1102, %dma_wait3A_1103] : memref<26x16384x32xf32, #tpu.memory_space<hbm>> -> memref<1x512x32xf32, #tpu.memory_space<hbm>>
        %dma_wait3A_1105 = tpu.memref_squeeze %dma_wait3A_1104 : memref<1x512x32xf32, #tpu.memory_space<hbm>> -> memref<512x32xf32, #tpu.memory_space<hbm>>
        %dma_wait3A_1106 = tpu.memref_slice %arg10[%dma_wait3A_1101] : memref<2x!tpu.dma_semaphore, #tpu.memory_space<semaphore_mem>> -> memref<1x!tpu.dma_semaphore, #tpu.memory_space<semaphore_mem>>
        %dma_wait3A_1107 = tpu.memref_squeeze %dma_wait3A_1106 : memref<1x!tpu.dma_semaphore, #tpu.memory_space<semaphore_mem>> -> memref<!tpu.dma_semaphore, #tpu.memory_space<semaphore_mem>>
        %dma_wait3A_1108 = arith.constant 0 : i32
        %dma_wait3A_1109 = arith.constant 0 : i32
        %dma_wait3A_1110 = tpu.memref_slice %arg4[%dma_wait3A_1100, %dma_wait3A_1108, %dma_wait3A_1109] : memref<26x16384x32xf32, #tpu.memory_space<hbm>> -> memref<1x512x32xf32, #tpu.memory_space<hbm>>
        %dma_wait3A_1111 = tpu.memref_squeeze %dma_wait3A_1110 : memref<1x512x32xf32, #tpu.memory_space<hbm>> -> memref<512x32xf32, #tpu.memory_space<hbm>>
        tpu.wait_dma2 semaphore(%dma_wait3A_1107 : memref<!tpu.dma_semaphore, #tpu.memory_space<semaphore_mem>>) src(%arg7 : memref<512x32xf32, #tpu.memory_space<vmem>>) dst(%dma_wait3A_1111 : memref<512x32xf32, #tpu.memory_space<hbm>>)
      } else {
      }
      %add3A_59 = arith.constant 1 : i32
      %add3A_60 = arith.addi %mul3A_33, %add3A_59 : i32
      %mul3A_61 = arith.constant 16384 : i32
      %mul3A_62 = arith.muli %add3A_60, %mul3A_61 : i32
      %mul3A_63 = arith.constant 128 : i32
      %mul3A_64 = arith.muli %mul3A_2, %mul3A_63 : i32
      %add3A_65 = arith.addi %mul3A_62, %mul3A_64 : i32
      %dma_start3A_66 = arith.constant 1 : i32
      %dma_start3A_67 = arith.constant 1 : i32
      %dma_start3A_68 = arith.constant 0 : i32
      %dma_start3A_69 = tpu.memref_slice %arg5[%dma_start3A_66, %dma_start3A_68] : memref<2x512xi32, #tpu.memory_space<vmem>> -> memref<1x512xi32, #tpu.memory_space<vmem>>
      %dma_start3A_70 = tpu.memref_squeeze %dma_start3A_69 : memref<1x512xi32, #tpu.memory_space<vmem>> -> memref<512xi32, #tpu.memory_space<vmem>>
      %dma_start3A_71 = tpu.memref_slice %arg2[%add3A_65] : memref<425984xi32, #tpu.memory_space<hbm>> -> memref<512xi32, #tpu.memory_space<hbm>>
      %dma_start3A_72 = tpu.memref_slice %arg8[%dma_start3A_67] : memref<2x!tpu.dma_semaphore, #tpu.memory_space<semaphore_mem>> -> memref<1x!tpu.dma_semaphore, #tpu.memory_space<semaphore_mem>>
      %dma_start3A_73 = tpu.memref_squeeze %dma_start3A_72 : memref<1x!tpu.dma_semaphore, #tpu.memory_space<semaphore_mem>> -> memref<!tpu.dma_semaphore, #tpu.memory_space<semaphore_mem>>
      %dma_start3A_74 = arith.constant 0 : i32
      %dma_start3A_75 = tpu.memref_slice %arg5[%dma_start3A_66, %dma_start3A_74] : memref<2x512xi32, #tpu.memory_space<vmem>> -> memref<1x512xi32, #tpu.memory_space<vmem>>
      %dma_start3A_76 = tpu.memref_squeeze %dma_start3A_75 : memref<1x512xi32, #tpu.memory_space<vmem>> -> memref<512xi32, #tpu.memory_space<vmem>>
      %dma_start3A_77 = tpu.memref_slice %arg2[%add3A_65] : memref<425984xi32, #tpu.memory_space<hbm>> -> memref<512xi32, #tpu.memory_space<hbm>>
      tpu.enqueue_dma source(%dma_start3A_77 : memref<512xi32, #tpu.memory_space<hbm>>) target(%dma_start3A_76 : memref<512xi32, #tpu.memory_space<vmem>>) target_semaphore(%dma_start3A_73 : memref<!tpu.dma_semaphore, #tpu.memory_space<semaphore_mem>>)
      %dma_wait3A_78 = arith.constant 0 : i32
      %dma_wait3A_79 = arith.constant 0 : i32
      %dma_wait3A_80 = arith.constant 0 : i32
      %dma_wait3A_81 = tpu.memref_slice %arg5[%dma_wait3A_78, %dma_wait3A_80] : memref<2x512xi32, #tpu.memory_space<vmem>> -> memref<1x512xi32, #tpu.memory_space<vmem>>
      %dma_wait3A_82 = tpu.memref_squeeze %dma_wait3A_81 : memref<1x512xi32, #tpu.memory_space<vmem>> -> memref<512xi32, #tpu.memory_space<vmem>>
      %dma_wait3A_83 = tpu.memref_slice %arg2[%add3A_42] : memref<425984xi32, #tpu.memory_space<hbm>> -> memref<512xi32, #tpu.memory_space<hbm>>
      %dma_wait3A_84 = tpu.memref_slice %arg8[%dma_wait3A_79] : memref<2x!tpu.dma_semaphore, #tpu.memory_space<semaphore_mem>> -> memref<1x!tpu.dma_semaphore, #tpu.memory_space<semaphore_mem>>
      %dma_wait3A_85 = tpu.memref_squeeze %dma_wait3A_84 : memref<1x!tpu.dma_semaphore, #tpu.memory_space<semaphore_mem>> -> memref<!tpu.dma_semaphore, #tpu.memory_space<semaphore_mem>>
      %dma_wait3A_86 = arith.constant 0 : i32
      %dma_wait3A_87 = tpu.memref_slice %arg5[%dma_wait3A_78, %dma_wait3A_86] : memref<2x512xi32, #tpu.memory_space<vmem>> -> memref<1x512xi32, #tpu.memory_space<vmem>>
      %dma_wait3A_88 = tpu.memref_squeeze %dma_wait3A_87 : memref<1x512xi32, #tpu.memory_space<vmem>> -> memref<512xi32, #tpu.memory_space<vmem>>
      %dma_wait3A_89 = tpu.memref_slice %arg2[%add3A_42] : memref<425984xi32, #tpu.memory_space<hbm>> -> memref<512xi32, #tpu.memory_space<hbm>>
      tpu.wait_dma2 semaphore(%dma_wait3A_85 : memref<!tpu.dma_semaphore, #tpu.memory_space<semaphore_mem>>) src(%dma_wait3A_89 : memref<512xi32, #tpu.memory_space<hbm>>) dst(%dma_wait3A_88 : memref<512xi32, #tpu.memory_space<vmem>>)
      %get3A = arith.constant 0 : i32
      %get3A_90 = arith.index_cast %get3A : i32 to index
      %get3A_91 = arith.constant 0 : index
      %get3A_92 = tpu.vector_load %arg5[%get3A_90, %get3A_91] {strides = array<i32>} : memref<2x512xi32, #tpu.memory_space<vmem>>, vector<1x16xi32>,
      %get3A_93 = vector.shape_cast %get3A_92 : vector<1x16xi32> to vector<16xi32>
      %mul3A_94 = arith.constant 4 : i32
      %mul3A_95 = vector.broadcast %mul3A_94 : i32 to vector<16xi32>
      %mul3A_96 = arith.muli %get3A_93, %mul3A_95 : vector<16xi32>
      %swap3A = arith.constant 0 : i32
      %swap3A_97 = arith.index_cast %swap3A : i32 to index
      %swap3A_98 = arith.constant 0 : index
      %swap3A_99 = tpu.vector_load %arg5[%swap3A_97, %swap3A_98] {strides = array<i32>} : memref<2x512xi32, #tpu.memory_space<vmem>>, vector<1x16xi32>,
      %swap3A_100 = vector.shape_cast %swap3A_99 : vector<1x16xi32> to vector<16xi32>
      %swap3A_101 = vector.shape_cast %mul3A_96 : vector<16xi32> to vector<1x16xi32>
      tpu.vector_store %arg5[%swap3A_97, %swap3A_98], %swap3A_101 {strides = array<i32>} : memref<2x512xi32, #tpu.memory_space<vmem>>, vector<1x16xi32>,
      %get3A_102 = arith.constant 0 : i32
      %get3A_103 = arith.index_cast %get3A_102 : i32 to index
      %get3A_104 = arith.constant 16 : index
      %get3A_105 = tpu.vector_load %arg5[%get3A_103, %get3A_104] {strides = array<i32>} : memref<2x512xi32, #tpu.memory_space<vmem>>, vector<1x16xi32>,
      %get3A_106 = vector.shape_cast %get3A_105 : vector<1x16xi32> to vector<16xi32>
      %mul3A_107 = arith.constant 4 : i32
      %mul3A_108 = vector.broadcast %mul3A_107 : i32 to vector<16xi32>
      %mul3A_109 = arith.muli %get3A_106, %mul3A_108 : vector<16xi32>
      %swap3A_110 = arith.constant 0 : i32
      %swap3A_111 = arith.index_cast %swap3A_110 : i32 to index
      %swap3A_112 = arith.constant 16 : index
      %swap3A_113 = tpu.vector_load %arg5[%swap3A_111, %swap3A_112] {strides = array<i32>} : memref<2x512xi32, #tpu.memory_space<vmem>>, vector<1x16xi32>,
      %swap3A_114 = vector.shape_cast %swap3A_113 : vector<1x16xi32> to vector<16xi32>
      %swap3A_115 = vector.shape_cast %mul3A_109 : vector<16xi32> to vector<1x16xi32>
      tpu.vector_store %arg5[%swap3A_111, %swap3A_112], %swap3A_115 {strides = array<i32>} : memref<2x512xi32, #tpu.memory_space<vmem>>, vector<1x16xi32>,
      %get3A_116 = arith.constant 0 : i32
      %get3A_117 = arith.index_cast %get3A_116 : i32 to index
      %get3A_118 = arith.constant 32 : index
      %get3A_119 = tpu.vector_load %arg5[%get3A_117, %get3A_118] {strides = array<i32>} : memref<2x512xi32, #tpu.memory_space<vmem>>, vector<1x16xi32>,
      %get3A_120 = vector.shape_cast %get3A_119 : vector<1x16xi32> to vector<16xi32>
      %mul3A_121 = arith.constant 4 : i32
      %mul3A_122 = vector.broadcast %mul3A_121 : i32 to vector<16xi32>
      %mul3A_123 = arith.muli %get3A_120, %mul3A_122 : vector<16xi32>
      %swap3A_124 = arith.constant 0 : i32
      %swap3A_125 = arith.index_cast %swap3A_124 : i32 to index
      %swap3A_126 = arith.constant 32 : index
      %swap3A_127 = tpu.vector_load %arg5[%swap3A_125, %swap3A_126] {strides = array<i32>} : memref<2x512xi32, #tpu.memory_space<vmem>>, vector<1x16xi32>,
      %swap3A_128 = vector.shape_cast %swap3A_127 : vector<1x16xi32> to vector<16xi32>
      %swap3A_129 = vector.shape_cast %mul3A_123 : vector<16xi32> to vector<1x16xi32>
      tpu.vector_store %arg5[%swap3A_125, %swap3A_126], %swap3A_129 {strides = array<i32>} : memref<2x512xi32, #tpu.memory_space<vmem>>, vector<1x16xi32>,
      %get3A_130 = arith.constant 0 : i32
      %get3A_131 = arith.index_cast %get3A_130 : i32 to index
      %get3A_132 = arith.constant 48 : index
      %get3A_133 = tpu.vector_load %arg5[%get3A_131, %get3A_132] {strides = array<i32>} : memref<2x512xi32, #tpu.memory_space<vmem>>, vector<1x16xi32>,
      %get3A_134 = vector.shape_cast %get3A_133 : vector<1x16xi32> to vector<16xi32>
      %mul3A_135 = arith.constant 4 : i32
      %mul3A_136 = vector.broadcast %mul3A_135 : i32 to vector<16xi32>
      %mul3A_137 = arith.muli %get3A_134, %mul3A_136 : vector<16xi32>
      %swap3A_138 = arith.constant 0 : i32
      %swap3A_139 = arith.index_cast %swap3A_138 : i32 to index
      %swap3A_140 = arith.constant 48 : index
      %swap3A_141 = tpu.vector_load %arg5[%swap3A_139, %swap3A_140] {strides = array<i32>} : memref<2x512xi32, #tpu.memory_space<vmem>>, vector<1x16xi32>,
      %swap3A_142 = vector.shape_cast %swap3A_141 : vector<1x16xi32> to vector<16xi32>
      %swap3A_143 = vector.shape_cast %mul3A_137 : vector<16xi32> to vector<1x16xi32>
      tpu.vector_store %arg5[%swap3A_139, %swap3A_140], %swap3A_143 {strides = array<i32>} : memref<2x512xi32, #tpu.memory_space<vmem>>, vector<1x16xi32>,
      %get3A_144 = arith.constant 0 : i32
      %get3A_145 = arith.index_cast %get3A_144 : i32 to index
      %get3A_146 = arith.constant 64 : index
      %get3A_147 = tpu.vector_load %arg5[%get3A_145, %get3A_146] {strides = array<i32>} : memref<2x512xi32, #tpu.memory_space<vmem>>, vector<1x16xi32>,
      %get3A_148 = vector.shape_cast %get3A_147 : vector<1x16xi32> to vector<16xi32>
      %mul3A_149 = arith.constant 4 : i32
      %mul3A_150 = vector.broadcast %mul3A_149 : i32 to vector<16xi32>
      %mul3A_151 = arith.muli %get3A_148, %mul3A_150 : vector<16xi32>
      %swap3A_152 = arith.constant 0 : i32
      %swap3A_153 = arith.index_cast %swap3A_152 : i32 to index
      %swap3A_154 = arith.constant 64 : index
      %swap3A_155 = tpu.vector_load %arg5[%swap3A_153, %swap3A_154] {strides = array<i32>} : memref<2x512xi32, #tpu.memory_space<vmem>>, vector<1x16xi32>,
      %swap3A_156 = vector.shape_cast %swap3A_155 : vector<1x16xi32> to vector<16xi32>
      %swap3A_157 = vector.shape_cast %mul3A_151 : vector<16xi32> to vector<1x16xi32>
      tpu.vector_store %arg5[%swap3A_153, %swap3A_154], %swap3A_157 {strides = array<i32>} : memref<2x512xi32, #tpu.memory_space<vmem>>, vector<1x16xi32>,
      %get3A_158 = arith.constant 0 : i32
      %get3A_159 = arith.index_cast %get3A_158 : i32 to index
      %get3A_160 = arith.constant 80 : index
      %get3A_161 = tpu.vector_load %arg5[%get3A_159, %get3A_160] {strides = array<i32>} : memref<2x512xi32, #tpu.memory_space<vmem>>, vector<1x16xi32>,
      %get3A_162 = vector.shape_cast %get3A_161 : vector<1x16xi32> to vector<16xi32>
      %mul3A_163 = arith.constant 4 : i32
      %mul3A_164 = vector.broadcast %mul3A_163 : i32 to vector<16xi32>
      %mul3A_165 = arith.muli %get3A_162, %mul3A_164 : vector<16xi32>
      %swap3A_166 = arith.constant 0 : i32
      %swap3A_167 = arith.index_cast %swap3A_166 : i32 to index
      %swap3A_168 = arith.constant 80 : index
      %swap3A_169 = tpu.vector_load %arg5[%swap3A_167, %swap3A_168] {strides = array<i32>} : memref<2x512xi32, #tpu.memory_space<vmem>>, vector<1x16xi32>,
      %swap3A_170 = vector.shape_cast %swap3A_169 : vector<1x16xi32> to vector<16xi32>
      %swap3A_171 = vector.shape_cast %mul3A_165 : vector<16xi32> to vector<1x16xi32>
      tpu.vector_store %arg5[%swap3A_167, %swap3A_168], %swap3A_171 {strides = array<i32>} : memref<2x512xi32, #tpu.memory_space<vmem>>, vector<1x16xi32>,
      %get3A_172 = arith.constant 0 : i32
      %get3A_173 = arith.index_cast %get3A_172 : i32 to index
      %get3A_174 = arith.constant 96 : index
      %get3A_175 = tpu.vector_load %arg5[%get3A_173, %get3A_174] {strides = array<i32>} : memref<2x512xi32, #tpu.memory_space<vmem>>, vector<1x16xi32>,
      %get3A_176 = vector.shape_cast %get3A_175 : vector<1x16xi32> to vector<16xi32>
      %mul3A_177 = arith.constant 4 : i32
      %mul3A_178 = vector.broadcast %mul3A_177 : i32 to vector<16xi32>
      %mul3A_179 = arith.muli %get3A_176, %mul3A_178 : vector<16xi32>
      %swap3A_180 = arith.constant 0 : i32
      %swap3A_181 = arith.index_cast %swap3A_180 : i32 to index
      %swap3A_182 = arith.constant 96 : index
      %swap3A_183 = tpu.vector_load %arg5[%swap3A_181, %swap3A_182] {strides = array<i32>} : memref<2x512xi32, #tpu.memory_space<vmem>>, vector<1x16xi32>,
      %swap3A_184 = vector.shape_cast %swap3A_183 : vector<1x16xi32> to vector<16xi32>
      %swap3A_185 = vector.shape_cast %mul3A_179 : vector<16xi32> to vector<1x16xi32>
      tpu.vector_store %arg5[%swap3A_181, %swap3A_182], %swap3A_185 {strides = array<i32>} : memref<2x512xi32, #tpu.memory_space<vmem>>, vector<1x16xi32>,
      %get3A_186 = arith.constant 0 : i32
      %get3A_187 = arith.index_cast %get3A_186 : i32 to index
      %get3A_188 = arith.constant 112 : index
      %get3A_189 = tpu.vector_load %arg5[%get3A_187, %get3A_188] {strides = array<i32>} : memref<2x512xi32, #tpu.memory_space<vmem>>, vector<1x16xi32>,
      %get3A_190 = vector.shape_cast %get3A_189 : vector<1x16xi32> to vector<16xi32>
      %mul3A_191 = arith.constant 4 : i32
      %mul3A_192 = vector.broadcast %mul3A_191 : i32 to vector<16xi32>
      %mul3A_193 = arith.muli %get3A_190, %mul3A_192 : vector<16xi32>
      %swap3A_194 = arith.constant 0 : i32
      %swap3A_195 = arith.index_cast %swap3A_194 : i32 to index
      %swap3A_196 = arith.constant 112 : index
      %swap3A_197 = tpu.vector_load %arg5[%swap3A_195, %swap3A_196] {strides = array<i32>} : memref<2x512xi32, #tpu.memory_space<vmem>>, vector<1x16xi32>,
      %swap3A_198 = vector.shape_cast %swap3A_197 : vector<1x16xi32> to vector<16xi32>
      %swap3A_199 = vector.shape_cast %mul3A_193 : vector<16xi32> to vector<1x16xi32>
      tpu.vector_store %arg5[%swap3A_195, %swap3A_196], %swap3A_199 {strides = array<i32>} : memref<2x512xi32, #tpu.memory_space<vmem>>, vector<1x16xi32>,
      %get3A_200 = arith.constant 0 : i32
      %get3A_201 = arith.index_cast %get3A_200 : i32 to index
      %get3A_202 = arith.constant 128 : index
      %get3A_203 = tpu.vector_load %arg5[%get3A_201, %get3A_202] {strides = array<i32>} : memref<2x512xi32, #tpu.memory_space<vmem>>, vector<1x16xi32>,
      %get3A_204 = vector.shape_cast %get3A_203 : vector<1x16xi32> to vector<16xi32>
      %mul3A_205 = arith.constant 4 : i32
      %mul3A_206 = vector.broadcast %mul3A_205 : i32 to vector<16xi32>
      %mul3A_207 = arith.muli %get3A_204, %mul3A_206 : vector<16xi32>
      %swap3A_208 = arith.constant 0 : i32
      %swap3A_209 = arith.index_cast %swap3A_208 : i32 to index
      %swap3A_210 = arith.constant 128 : index
      %swap3A_211 = tpu.vector_load %arg5[%swap3A_209, %swap3A_210] {strides = array<i32>} : memref<2x512xi32, #tpu.memory_space<vmem>>, vector<1x16xi32>,
      %swap3A_212 = vector.shape_cast %swap3A_211 : vector<1x16xi32> to vector<16xi32>
      %swap3A_213 = vector.shape_cast %mul3A_207 : vector<16xi32> to vector<1x16xi32>
      tpu.vector_store %arg5[%swap3A_209, %swap3A_210], %swap3A_213 {strides = array<i32>} : memref<2x512xi32, #tpu.memory_space<vmem>>, vector<1x16xi32>,
      %get3A_214 = arith.constant 0 : i32
      %get3A_215 = arith.index_cast %get3A_214 : i32 to index
      %get3A_216 = arith.constant 144 : index
      %get3A_217 = tpu.vector_load %arg5[%get3A_215, %get3A_216] {strides = array<i32>} : memref<2x512xi32, #tpu.memory_space<vmem>>, vector<1x16xi32>,
      %get3A_218 = vector.shape_cast %get3A_217 : vector<1x16xi32> to vector<16xi32>
      %mul3A_219 = arith.constant 4 : i32
      %mul3A_220 = vector.broadcast %mul3A_219 : i32 to vector<16xi32>
      %mul3A_221 = arith.muli %get3A_218, %mul3A_220 : vector<16xi32>
      %swap3A_222 = arith.constant 0 : i32
      %swap3A_223 = arith.index_cast %swap3A_222 : i32 to index
      %swap3A_224 = arith.constant 144 : index
      %swap3A_225 = tpu.vector_load %arg5[%swap3A_223, %swap3A_224] {strides = array<i32>} : memref<2x512xi32, #tpu.memory_space<vmem>>, vector<1x16xi32>,
      %swap3A_226 = vector.shape_cast %swap3A_225 : vector<1x16xi32> to vector<16xi32>
      %swap3A_227 = vector.shape_cast %mul3A_221 : vector<16xi32> to vector<1x16xi32>
      tpu.vector_store %arg5[%swap3A_223, %swap3A_224], %swap3A_227 {strides = array<i32>} : memref<2x512xi32, #tpu.memory_space<vmem>>, vector<1x16xi32>,
      %get3A_228 = arith.constant 0 : i32
      %get3A_229 = arith.index_cast %get3A_228 : i32 to index
      %get3A_230 = arith.constant 160 : index
      %get3A_231 = tpu.vector_load %arg5[%get3A_229, %get3A_230] {strides = array<i32>} : memref<2x512xi32, #tpu.memory_space<vmem>>, vector<1x16xi32>,
      %get3A_232 = vector.shape_cast %get3A_231 : vector<1x16xi32> to vector<16xi32>
      %mul3A_233 = arith.constant 4 : i32
      %mul3A_234 = vector.broadcast %mul3A_233 : i32 to vector<16xi32>
      %mul3A_235 = arith.muli %get3A_232, %mul3A_234 : vector<16xi32>
      %swap3A_236 = arith.constant 0 : i32
      %swap3A_237 = arith.index_cast %swap3A_236 : i32 to index
      %swap3A_238 = arith.constant 160 : index
      %swap3A_239 = tpu.vector_load %arg5[%swap3A_237, %swap3A_238] {strides = array<i32>} : memref<2x512xi32, #tpu.memory_space<vmem>>, vector<1x16xi32>,
      %swap3A_240 = vector.shape_cast %swap3A_239 : vector<1x16xi32> to vector<16xi32>
      %swap3A_241 = vector.shape_cast %mul3A_235 : vector<16xi32> to vector<1x16xi32>
      tpu.vector_store %arg5[%swap3A_237, %swap3A_238], %swap3A_241 {strides = array<i32>} : memref<2x512xi32, #tpu.memory_space<vmem>>, vector<1x16xi32>,
      %get3A_242 = arith.constant 0 : i32
      %get3A_243 = arith.index_cast %get3A_242 : i32 to index
      %get3A_244 = arith.constant 176 : index
      %get3A_245 = tpu.vector_load %arg5[%get3A_243, %get3A_244] {strides = array<i32>} : memref<2x512xi32, #tpu.memory_space<vmem>>, vector<1x16xi32>,
      %get3A_246 = vector.shape_cast %get3A_245 : vector<1x16xi32> to vector<16xi32>
      %mul3A_247 = arith.constant 4 : i32
      %mul3A_248 = vector.broadcast %mul3A_247 : i32 to vector<16xi32>
      %mul3A_249 = arith.muli %get3A_246, %mul3A_248 : vector<16xi32>
      %swap3A_250 = arith.constant 0 : i32
      %swap3A_251 = arith.index_cast %swap3A_250 : i32 to index
      %swap3A_252 = arith.constant 176 : index
      %swap3A_253 = tpu.vector_load %arg5[%swap3A_251, %swap3A_252] {strides = array<i32>} : memref<2x512xi32, #tpu.memory_space<vmem>>, vector<1x16xi32>,
      %swap3A_254 = vector.shape_cast %swap3A_253 : vector<1x16xi32> to vector<16xi32>
      %swap3A_255 = vector.shape_cast %mul3A_249 : vector<16xi32> to vector<1x16xi32>
      tpu.vector_store %arg5[%swap3A_251, %swap3A_252], %swap3A_255 {strides = array<i32>} : memref<2x512xi32, #tpu.memory_space<vmem>>, vector<1x16xi32>,
      %get3A_256 = arith.constant 0 : i32
      %get3A_257 = arith.index_cast %get3A_256 : i32 to index
      %get3A_258 = arith.constant 192 : index
      %get3A_259 = tpu.vector_load %arg5[%get3A_257, %get3A_258] {strides = array<i32>} : memref<2x512xi32, #tpu.memory_space<vmem>>, vector<1x16xi32>,
      %get3A_260 = vector.shape_cast %get3A_259 : vector<1x16xi32> to vector<16xi32>
      %mul3A_261 = arith.constant 4 : i32
      %mul3A_262 = vector.broadcast %mul3A_261 : i32 to vector<16xi32>
      %mul3A_263 = arith.muli %get3A_260, %mul3A_262 : vector<16xi32>
      %swap3A_264 = arith.constant 0 : i32
      %swap3A_265 = arith.index_cast %swap3A_264 : i32 to index
      %swap3A_266 = arith.constant 192 : index
      %swap3A_267 = tpu.vector_load %arg5[%swap3A_265, %swap3A_266] {strides = array<i32>} : memref<2x512xi32, #tpu.memory_space<vmem>>, vector<1x16xi32>,
      %swap3A_268 = vector.shape_cast %swap3A_267 : vector<1x16xi32> to vector<16xi32>
      %swap3A_269 = vector.shape_cast %mul3A_263 : vector<16xi32> to vector<1x16xi32>
      tpu.vector_store %arg5[%swap3A_265, %swap3A_266], %swap3A_269 {strides = array<i32>} : memref<2x512xi32, #tpu.memory_space<vmem>>, vector<1x16xi32>,
      %get3A_270 = arith.constant 0 : i32
      %get3A_271 = arith.index_cast %get3A_270 : i32 to index
      %get3A_272 = arith.constant 208 : index
      %get3A_273 = tpu.vector_load %arg5[%get3A_271, %get3A_272] {strides = array<i32>} : memref<2x512xi32, #tpu.memory_space<vmem>>, vector<1x16xi32>,
      %get3A_274 = vector.shape_cast %get3A_273 : vector<1x16xi32> to vector<16xi32>
      %mul3A_275 = arith.constant 4 : i32
      %mul3A_276 = vector.broadcast %mul3A_275 : i32 to vector<16xi32>
      %mul3A_277 = arith.muli %get3A_274, %mul3A_276 : vector<16xi32>
      %swap3A_278 = arith.constant 0 : i32
      %swap3A_279 = arith.index_cast %swap3A_278 : i32 to index
      %swap3A_280 = arith.constant 208 : index
      %swap3A_281 = tpu.vector_load %arg5[%swap3A_279, %swap3A_280] {strides = array<i32>} : memref<2x512xi32, #tpu.memory_space<vmem>>, vector<1x16xi32>,
      %swap3A_282 = vector.shape_cast %swap3A_281 : vector<1x16xi32> to vector<16xi32>
      %swap3A_283 = vector.shape_cast %mul3A_277 : vector<16xi32> to vector<1x16xi32>
      tpu.vector_store %arg5[%swap3A_279, %swap3A_280], %swap3A_283 {strides = array<i32>} : memref<2x512xi32, #tpu.memory_space<vmem>>, vector<1x16xi32>,
      %get3A_284 = arith.constant 0 : i32
      %get3A_285 = arith.index_cast %get3A_284 : i32 to index
      %get3A_286 = arith.constant 224 : index
      %get3A_287 = tpu.vector_load %arg5[%get3A_285, %get3A_286] {strides = array<i32>} : memref<2x512xi32, #tpu.memory_space<vmem>>, vector<1x16xi32>,
      %get3A_288 = vector.shape_cast %get3A_287 : vector<1x16xi32> to vector<16xi32>
      %mul3A_289 = arith.constant 4 : i32
      %mul3A_290 = vector.broadcast %mul3A_289 : i32 to vector<16xi32>
      %mul3A_291 = arith.muli %get3A_288, %mul3A_290 : vector<16xi32>
      %swap3A_292 = arith.constant 0 : i32
      %swap3A_293 = arith.index_cast %swap3A_292 : i32 to index
      %swap3A_294 = arith.constant 224 : index
      %swap3A_295 = tpu.vector_load %arg5[%swap3A_293, %swap3A_294] {strides = array<i32>} : memref<2x512xi32, #tpu.memory_space<vmem>>, vector<1x16xi32>,
      %swap3A_296 = vector.shape_cast %swap3A_295 : vector<1x16xi32> to vector<16xi32>
      %swap3A_297 = vector.shape_cast %mul3A_291 : vector<16xi32> to vector<1x16xi32>
      tpu.vector_store %arg5[%swap3A_293, %swap3A_294], %swap3A_297 {strides = array<i32>} : memref<2x512xi32, #tpu.memory_space<vmem>>, vector<1x16xi32>,
      %get3A_298 = arith.constant 0 : i32
      %get3A_299 = arith.index_cast %get3A_298 : i32 to index
      %get3A_300 = arith.constant 240 : index
      %get3A_301 = tpu.vector_load %arg5[%get3A_299, %get3A_300] {strides = array<i32>} : memref<2x512xi32, #tpu.memory_space<vmem>>, vector<1x16xi32>,
      %get3A_302 = vector.shape_cast %get3A_301 : vector<1x16xi32> to vector<16xi32>
      %mul3A_303 = arith.constant 4 : i32
      %mul3A_304 = vector.broadcast %mul3A_303 : i32 to vector<16xi32>
      %mul3A_305 = arith.muli %get3A_302, %mul3A_304 : vector<16xi32>
      %swap3A_306 = arith.constant 0 : i32
      %swap3A_307 = arith.index_cast %swap3A_306 : i32 to index
      %swap3A_308 = arith.constant 240 : index
      %swap3A_309 = tpu.vector_load %arg5[%swap3A_307, %swap3A_308] {strides = array<i32>} : memref<2x512xi32, #tpu.memory_space<vmem>>, vector<1x16xi32>,
      %swap3A_310 = vector.shape_cast %swap3A_309 : vector<1x16xi32> to vector<16xi32>
      %swap3A_311 = vector.shape_cast %mul3A_305 : vector<16xi32> to vector<1x16xi32>
      tpu.vector_store %arg5[%swap3A_307, %swap3A_308], %swap3A_311 {strides = array<i32>} : memref<2x512xi32, #tpu.memory_space<vmem>>, vector<1x16xi32>,
      %get3A_312 = arith.constant 0 : i32
      %get3A_313 = arith.index_cast %get3A_312 : i32 to index
      %get3A_314 = arith.constant 256 : index
      %get3A_315 = tpu.vector_load %arg5[%get3A_313, %get3A_314] {strides = array<i32>} : memref<2x512xi32, #tpu.memory_space<vmem>>, vector<1x16xi32>,
      %get3A_316 = vector.shape_cast %get3A_315 : vector<1x16xi32> to vector<16xi32>
      %mul3A_317 = arith.constant 4 : i32
      %mul3A_318 = vector.broadcast %mul3A_317 : i32 to vector<16xi32>
      %mul3A_319 = arith.muli %get3A_316, %mul3A_318 : vector<16xi32>
      %swap3A_320 = arith.constant 0 : i32
      %swap3A_321 = arith.index_cast %swap3A_320 : i32 to index
      %swap3A_322 = arith.constant 256 : index
      %swap3A_323 = tpu.vector_load %arg5[%swap3A_321, %swap3A_322] {strides = array<i32>} : memref<2x512xi32, #tpu.memory_space<vmem>>, vector<1x16xi32>,
      %swap3A_324 = vector.shape_cast %swap3A_323 : vector<1x16xi32> to vector<16xi32>
      %swap3A_325 = vector.shape_cast %mul3A_319 : vector<16xi32> to vector<1x16xi32>
      tpu.vector_store %arg5[%swap3A_321, %swap3A_322], %swap3A_325 {strides = array<i32>} : memref<2x512xi32, #tpu.memory_space<vmem>>, vector<1x16xi32>,
      %get3A_326 = arith.constant 0 : i32
      %get3A_327 = arith.index_cast %get3A_326 : i32 to index
      %get3A_328 = arith.constant 272 : index
      %get3A_329 = tpu.vector_load %arg5[%get3A_327, %get3A_328] {strides = array<i32>} : memref<2x512xi32, #tpu.memory_space<vmem>>, vector<1x16xi32>,
      %get3A_330 = vector.shape_cast %get3A_329 : vector<1x16xi32> to vector<16xi32>
      %mul3A_331 = arith.constant 4 : i32
      %mul3A_332 = vector.broadcast %mul3A_331 : i32 to vector<16xi32>
      %mul3A_333 = arith.muli %get3A_330, %mul3A_332 : vector<16xi32>
      %swap3A_334 = arith.constant 0 : i32
      %swap3A_335 = arith.index_cast %swap3A_334 : i32 to index
      %swap3A_336 = arith.constant 272 : index
      %swap3A_337 = tpu.vector_load %arg5[%swap3A_335, %swap3A_336] {strides = array<i32>} : memref<2x512xi32, #tpu.memory_space<vmem>>, vector<1x16xi32>,
      %swap3A_338 = vector.shape_cast %swap3A_337 : vector<1x16xi32> to vector<16xi32>
      %swap3A_339 = vector.shape_cast %mul3A_333 : vector<16xi32> to vector<1x16xi32>
      tpu.vector_store %arg5[%swap3A_335, %swap3A_336], %swap3A_339 {strides = array<i32>} : memref<2x512xi32, #tpu.memory_space<vmem>>, vector<1x16xi32>,
      %get3A_340 = arith.constant 0 : i32
      %get3A_341 = arith.index_cast %get3A_340 : i32 to index
      %get3A_342 = arith.constant 288 : index
      %get3A_343 = tpu.vector_load %arg5[%get3A_341, %get3A_342] {strides = array<i32>} : memref<2x512xi32, #tpu.memory_space<vmem>>, vector<1x16xi32>,
      %get3A_344 = vector.shape_cast %get3A_343 : vector<1x16xi32> to vector<16xi32>
      %mul3A_345 = arith.constant 4 : i32
      %mul3A_346 = vector.broadcast %mul3A_345 : i32 to vector<16xi32>
      %mul3A_347 = arith.muli %get3A_344, %mul3A_346 : vector<16xi32>
      %swap3A_348 = arith.constant 0 : i32
      %swap3A_349 = arith.index_cast %swap3A_348 : i32 to index
      %swap3A_350 = arith.constant 288 : index
      %swap3A_351 = tpu.vector_load %arg5[%swap3A_349, %swap3A_350] {strides = array<i32>} : memref<2x512xi32, #tpu.memory_space<vmem>>, vector<1x16xi32>,
      %swap3A_352 = vector.shape_cast %swap3A_351 : vector<1x16xi32> to vector<16xi32>
      %swap3A_353 = vector.shape_cast %mul3A_347 : vector<16xi32> to vector<1x16xi32>
      tpu.vector_store %arg5[%swap3A_349, %swap3A_350], %swap3A_353 {strides = array<i32>} : memref<2x512xi32, #tpu.memory_space<vmem>>, vector<1x16xi32>,
      %get3A_354 = arith.constant 0 : i32
      %get3A_355 = arith.index_cast %get3A_354 : i32 to index
      %get3A_356 = arith.constant 304 : index
      %get3A_357 = tpu.vector_load %arg5[%get3A_355, %get3A_356] {strides = array<i32>} : memref<2x512xi32, #tpu.memory_space<vmem>>, vector<1x16xi32>,
      %get3A_358 = vector.shape_cast %get3A_357 : vector<1x16xi32> to vector<16xi32>
      %mul3A_359 = arith.constant 4 : i32
      %mul3A_360 = vector.broadcast %mul3A_359 : i32 to vector<16xi32>
      %mul3A_361 = arith.muli %get3A_358, %mul3A_360 : vector<16xi32>
      %swap3A_362 = arith.constant 0 : i32
      %swap3A_363 = arith.index_cast %swap3A_362 : i32 to index
      %swap3A_364 = arith.constant 304 : index
      %swap3A_365 = tpu.vector_load %arg5[%swap3A_363, %swap3A_364] {strides = array<i32>} : memref<2x512xi32, #tpu.memory_space<vmem>>, vector<1x16xi32>,
      %swap3A_366 = vector.shape_cast %swap3A_365 : vector<1x16xi32> to vector<16xi32>
      %swap3A_367 = vector.shape_cast %mul3A_361 : vector<16xi32> to vector<1x16xi32>
      tpu.vector_store %arg5[%swap3A_363, %swap3A_364], %swap3A_367 {strides = array<i32>} : memref<2x512xi32, #tpu.memory_space<vmem>>, vector<1x16xi32>,
      %get3A_368 = arith.constant 0 : i32
      %get3A_369 = arith.index_cast %get3A_368 : i32 to index
      %get3A_370 = arith.constant 320 : index
      %get3A_371 = tpu.vector_load %arg5[%get3A_369, %get3A_370] {strides = array<i32>} : memref<2x512xi32, #tpu.memory_space<vmem>>, vector<1x16xi32>,
      %get3A_372 = vector.shape_cast %get3A_371 : vector<1x16xi32> to vector<16xi32>
      %mul3A_373 = arith.constant 4 : i32
      %mul3A_374 = vector.broadcast %mul3A_373 : i32 to vector<16xi32>
      %mul3A_375 = arith.muli %get3A_372, %mul3A_374 : vector<16xi32>
      %swap3A_376 = arith.constant 0 : i32
      %swap3A_377 = arith.index_cast %swap3A_376 : i32 to index
      %swap3A_378 = arith.constant 320 : index
      %swap3A_379 = tpu.vector_load %arg5[%swap3A_377, %swap3A_378] {strides = array<i32>} : memref<2x512xi32, #tpu.memory_space<vmem>>, vector<1x16xi32>,
      %swap3A_380 = vector.shape_cast %swap3A_379 : vector<1x16xi32> to vector<16xi32>
      %swap3A_381 = vector.shape_cast %mul3A_375 : vector<16xi32> to vector<1x16xi32>
      tpu.vector_store %arg5[%swap3A_377, %swap3A_378], %swap3A_381 {strides = array<i32>} : memref<2x512xi32, #tpu.memory_space<vmem>>, vector<1x16xi32>,
      %get3A_382 = arith.constant 0 : i32
      %get3A_383 = arith.index_cast %get3A_382 : i32 to index
      %get3A_384 = arith.constant 336 : index
      %get3A_385 = tpu.vector_load %arg5[%get3A_383, %get3A_384] {strides = array<i32>} : memref<2x512xi32, #tpu.memory_space<vmem>>, vector<1x16xi32>,
      %get3A_386 = vector.shape_cast %get3A_385 : vector<1x16xi32> to vector<16xi32>
      %mul3A_387 = arith.constant 4 : i32
      %mul3A_388 = vector.broadcast %mul3A_387 : i32 to vector<16xi32>
      %mul3A_389 = arith.muli %get3A_386, %mul3A_388 : vector<16xi32>
      %swap3A_390 = arith.constant 0 : i32
      %swap3A_391 = arith.index_cast %swap3A_390 : i32 to index
      %swap3A_392 = arith.constant 336 : index
      %swap3A_393 = tpu.vector_load %arg5[%swap3A_391, %swap3A_392] {strides = array<i32>} : memref<2x512xi32, #tpu.memory_space<vmem>>, vector<1x16xi32>,
      %swap3A_394 = vector.shape_cast %swap3A_393 : vector<1x16xi32> to vector<16xi32>
      %swap3A_395 = vector.shape_cast %mul3A_389 : vector<16xi32> to vector<1x16xi32>
      tpu.vector_store %arg5[%swap3A_391, %swap3A_392], %swap3A_395 {strides = array<i32>} : memref<2x512xi32, #tpu.memory_space<vmem>>, vector<1x16xi32>,
      %get3A_396 = arith.constant 0 : i32
      %get3A_397 = arith.index_cast %get3A_396 : i32 to index
      %get3A_398 = arith.constant 352 : index
      %get3A_399 = tpu.vector_load %arg5[%get3A_397, %get3A_398] {strides = array<i32>} : memref<2x512xi32, #tpu.memory_space<vmem>>, vector<1x16xi32>,
      %get3A_400 = vector.shape_cast %get3A_399 : vector<1x16xi32> to vector<16xi32>
      %mul3A_401 = arith.constant 4 : i32
      %mul3A_402 = vector.broadcast %mul3A_401 : i32 to vector<16xi32>
      %mul3A_403 = arith.muli %get3A_400, %mul3A_402 : vector<16xi32>
      %swap3A_404 = arith.constant 0 : i32
      %swap3A_405 = arith.index_cast %swap3A_404 : i32 to index
      %swap3A_406 = arith.constant 352 : index
      %swap3A_407 = tpu.vector_load %arg5[%swap3A_405, %swap3A_406] {strides = array<i32>} : memref<2x512xi32, #tpu.memory_space<vmem>>, vector<1x16xi32>,
      %swap3A_408 = vector.shape_cast %swap3A_407 : vector<1x16xi32> to vector<16xi32>
      %swap3A_409 = vector.shape_cast %mul3A_403 : vector<16xi32> to vector<1x16xi32>
      tpu.vector_store %arg5[%swap3A_405, %swap3A_406], %swap3A_409 {strides = array<i32>} : memref<2x512xi32, #tpu.memory_space<vmem>>, vector<1x16xi32>,
      %get3A_410 = arith.constant 0 : i32
      %get3A_411 = arith.index_cast %get3A_410 : i32 to index
      %get3A_412 = arith.constant 368 : index
      %get3A_413 = tpu.vector_load %arg5[%get3A_411, %get3A_412] {strides = array<i32>} : memref<2x512xi32, #tpu.memory_space<vmem>>, vector<1x16xi32>,
      %get3A_414 = vector.shape_cast %get3A_413 : vector<1x16xi32> to vector<16xi32>
      %mul3A_415 = arith.constant 4 : i32
      %mul3A_416 = vector.broadcast %mul3A_415 : i32 to vector<16xi32>
      %mul3A_417 = arith.muli %get3A_414, %mul3A_416 : vector<16xi32>
      %swap3A_418 = arith.constant 0 : i32
      %swap3A_419 = arith.index_cast %swap3A_418 : i32 to index
      %swap3A_420 = arith.constant 368 : index
      %swap3A_421 = tpu.vector_load %arg5[%swap3A_419, %swap3A_420] {strides = array<i32>} : memref<2x512xi32, #tpu.memory_space<vmem>>, vector<1x16xi32>,
      %swap3A_422 = vector.shape_cast %swap3A_421 : vector<1x16xi32> to vector<16xi32>
      %swap3A_423 = vector.shape_cast %mul3A_417 : vector<16xi32> to vector<1x16xi32>
      tpu.vector_store %arg5[%swap3A_419, %swap3A_420], %swap3A_423 {strides = array<i32>} : memref<2x512xi32, #tpu.memory_space<vmem>>, vector<1x16xi32>,
      %get3A_424 = arith.constant 0 : i32
      %get3A_425 = arith.index_cast %get3A_424 : i32 to index
      %get3A_426 = arith.constant 384 : index
      %get3A_427 = tpu.vector_load %arg5[%get3A_425, %get3A_426] {strides = array<i32>} : memref<2x512xi32, #tpu.memory_space<vmem>>, vector<1x16xi32>,
      %get3A_428 = vector.shape_cast %get3A_427 : vector<1x16xi32> to vector<16xi32>
      %mul3A_429 = arith.constant 4 : i32
      %mul3A_430 = vector.broadcast %mul3A_429 : i32 to vector<16xi32>
      %mul3A_431 = arith.muli %get3A_428, %mul3A_430 : vector<16xi32>
      %swap3A_432 = arith.constant 0 : i32
      %swap3A_433 = arith.index_cast %swap3A_432 : i32 to index
      %swap3A_434 = arith.constant 384 : index
      %swap3A_435 = tpu.vector_load %arg5[%swap3A_433, %swap3A_434] {strides = array<i32>} : memref<2x512xi32, #tpu.memory_space<vmem>>, vector<1x16xi32>,
      %swap3A_436 = vector.shape_cast %swap3A_435 : vector<1x16xi32> to vector<16xi32>
      %swap3A_437 = vector.shape_cast %mul3A_431 : vector<16xi32> to vector<1x16xi32>
      tpu.vector_store %arg5[%swap3A_433, %swap3A_434], %swap3A_437 {strides = array<i32>} : memref<2x512xi32, #tpu.memory_space<vmem>>, vector<1x16xi32>,
      %get3A_438 = arith.constant 0 : i32
      %get3A_439 = arith.index_cast %get3A_438 : i32 to index
      %get3A_440 = arith.constant 400 : index
      %get3A_441 = tpu.vector_load %arg5[%get3A_439, %get3A_440] {strides = array<i32>} : memref<2x512xi32, #tpu.memory_space<vmem>>, vector<1x16xi32>,
      %get3A_442 = vector.shape_cast %get3A_441 : vector<1x16xi32> to vector<16xi32>
      %mul3A_443 = arith.constant 4 : i32
      %mul3A_444 = vector.broadcast %mul3A_443 : i32 to vector<16xi32>
      %mul3A_445 = arith.muli %get3A_442, %mul3A_444 : vector<16xi32>
      %swap3A_446 = arith.constant 0 : i32
      %swap3A_447 = arith.index_cast %swap3A_446 : i32 to index
      %swap3A_448 = arith.constant 400 : index
      %swap3A_449 = tpu.vector_load %arg5[%swap3A_447, %swap3A_448] {strides = array<i32>} : memref<2x512xi32, #tpu.memory_space<vmem>>, vector<1x16xi32>,
      %swap3A_450 = vector.shape_cast %swap3A_449 : vector<1x16xi32> to vector<16xi32>
      %swap3A_451 = vector.shape_cast %mul3A_445 : vector<16xi32> to vector<1x16xi32>
      tpu.vector_store %arg5[%swap3A_447, %swap3A_448], %swap3A_451 {strides = array<i32>} : memref<2x512xi32, #tpu.memory_space<vmem>>, vector<1x16xi32>,
      %get3A_452 = arith.constant 0 : i32
      %get3A_453 = arith.index_cast %get3A_452 : i32 to index
      %get3A_454 = arith.constant 416 : index
      %get3A_455 = tpu.vector_load %arg5[%get3A_453, %get3A_454] {strides = array<i32>} : memref<2x512xi32, #tpu.memory_space<vmem>>, vector<1x16xi32>,
      %get3A_456 = vector.shape_cast %get3A_455 : vector<1x16xi32> to vector<16xi32>
      %mul3A_457 = arith.constant 4 : i32
      %mul3A_458 = vector.broadcast %mul3A_457 : i32 to vector<16xi32>
      %mul3A_459 = arith.muli %get3A_456, %mul3A_458 : vector<16xi32>
      %swap3A_460 = arith.constant 0 : i32
      %swap3A_461 = arith.index_cast %swap3A_460 : i32 to index
      %swap3A_462 = arith.constant 416 : index
      %swap3A_463 = tpu.vector_load %arg5[%swap3A_461, %swap3A_462] {strides = array<i32>} : memref<2x512xi32, #tpu.memory_space<vmem>>, vector<1x16xi32>,
      %swap3A_464 = vector.shape_cast %swap3A_463 : vector<1x16xi32> to vector<16xi32>
      %swap3A_465 = vector.shape_cast %mul3A_459 : vector<16xi32> to vector<1x16xi32>
      tpu.vector_store %arg5[%swap3A_461, %swap3A_462], %swap3A_465 {strides = array<i32>} : memref<2x512xi32, #tpu.memory_space<vmem>>, vector<1x16xi32>,
      %get3A_466 = arith.constant 0 : i32
      %get3A_467 = arith.index_cast %get3A_466 : i32 to index
      %get3A_468 = arith.constant 432 : index
      %get3A_469 = tpu.vector_load %arg5[%get3A_467, %get3A_468] {strides = array<i32>} : memref<2x512xi32, #tpu.memory_space<vmem>>, vector<1x16xi32>,
      %get3A_470 = vector.shape_cast %get3A_469 : vector<1x16xi32> to vector<16xi32>
      %mul3A_471 = arith.constant 4 : i32
      %mul3A_472 = vector.broadcast %mul3A_471 : i32 to vector<16xi32>
      %mul3A_473 = arith.muli %get3A_470, %mul3A_472 : vector<16xi32>
      %swap3A_474 = arith.constant 0 : i32
      %swap3A_475 = arith.index_cast %swap3A_474 : i32 to index
      %swap3A_476 = arith.constant 432 : index
      %swap3A_477 = tpu.vector_load %arg5[%swap3A_475, %swap3A_476] {strides = array<i32>} : memref<2x512xi32, #tpu.memory_space<vmem>>, vector<1x16xi32>,
      %swap3A_478 = vector.shape_cast %swap3A_477 : vector<1x16xi32> to vector<16xi32>
      %swap3A_479 = vector.shape_cast %mul3A_473 : vector<16xi32> to vector<1x16xi32>
      tpu.vector_store %arg5[%swap3A_475, %swap3A_476], %swap3A_479 {strides = array<i32>} : memref<2x512xi32, #tpu.memory_space<vmem>>, vector<1x16xi32>,
      %get3A_480 = arith.constant 0 : i32
      %get3A_481 = arith.index_cast %get3A_480 : i32 to index
      %get3A_482 = arith.constant 448 : index
      %get3A_483 = tpu.vector_load %arg5[%get3A_481, %get3A_482] {strides = array<i32>} : memref<2x512xi32, #tpu.memory_space<vmem>>, vector<1x16xi32>,
      %get3A_484 = vector.shape_cast %get3A_483 : vector<1x16xi32> to vector<16xi32>
      %mul3A_485 = arith.constant 4 : i32
      %mul3A_486 = vector.broadcast %mul3A_485 : i32 to vector<16xi32>
      %mul3A_487 = arith.muli %get3A_484, %mul3A_486 : vector<16xi32>
      %swap3A_488 = arith.constant 0 : i32
      %swap3A_489 = arith.index_cast %swap3A_488 : i32 to index
      %swap3A_490 = arith.constant 448 : index
      %swap3A_491 = tpu.vector_load %arg5[%swap3A_489, %swap3A_490] {strides = array<i32>} : memref<2x512xi32, #tpu.memory_space<vmem>>, vector<1x16xi32>,
      %swap3A_492 = vector.shape_cast %swap3A_491 : vector<1x16xi32> to vector<16xi32>
      %swap3A_493 = vector.shape_cast %mul3A_487 : vector<16xi32> to vector<1x16xi32>
      tpu.vector_store %arg5[%swap3A_489, %swap3A_490], %swap3A_493 {strides = array<i32>} : memref<2x512xi32, #tpu.memory_space<vmem>>, vector<1x16xi32>,
      %get3A_494 = arith.constant 0 : i32
      %get3A_495 = arith.index_cast %get3A_494 : i32 to index
      %get3A_496 = arith.constant 464 : index
      %get3A_497 = tpu.vector_load %arg5[%get3A_495, %get3A_496] {strides = array<i32>} : memref<2x512xi32, #tpu.memory_space<vmem>>, vector<1x16xi32>,
      %get3A_498 = vector.shape_cast %get3A_497 : vector<1x16xi32> to vector<16xi32>
      %mul3A_499 = arith.constant 4 : i32
      %mul3A_500 = vector.broadcast %mul3A_499 : i32 to vector<16xi32>
      %mul3A_501 = arith.muli %get3A_498, %mul3A_500 : vector<16xi32>
      %swap3A_502 = arith.constant 0 : i32
      %swap3A_503 = arith.index_cast %swap3A_502 : i32 to index
      %swap3A_504 = arith.constant 464 : index
      %swap3A_505 = tpu.vector_load %arg5[%swap3A_503, %swap3A_504] {strides = array<i32>} : memref<2x512xi32, #tpu.memory_space<vmem>>, vector<1x16xi32>,
      %swap3A_506 = vector.shape_cast %swap3A_505 : vector<1x16xi32> to vector<16xi32>
      %swap3A_507 = vector.shape_cast %mul3A_501 : vector<16xi32> to vector<1x16xi32>
      tpu.vector_store %arg5[%swap3A_503, %swap3A_504], %swap3A_507 {strides = array<i32>} : memref<2x512xi32, #tpu.memory_space<vmem>>, vector<1x16xi32>,
      %get3A_508 = arith.constant 0 : i32
      %get3A_509 = arith.index_cast %get3A_508 : i32 to index
      %get3A_510 = arith.constant 480 : index
      %get3A_511 = tpu.vector_load %arg5[%get3A_509, %get3A_510] {strides = array<i32>} : memref<2x512xi32, #tpu.memory_space<vmem>>, vector<1x16xi32>,
      %get3A_512 = vector.shape_cast %get3A_511 : vector<1x16xi32> to vector<16xi32>
      %mul3A_513 = arith.constant 4 : i32
      %mul3A_514 = vector.broadcast %mul3A_513 : i32 to vector<16xi32>
      %mul3A_515 = arith.muli %get3A_512, %mul3A_514 : vector<16xi32>
      %swap3A_516 = arith.constant 0 : i32
      %swap3A_517 = arith.index_cast %swap3A_516 : i32 to index
      %swap3A_518 = arith.constant 480 : index
      %swap3A_519 = tpu.vector_load %arg5[%swap3A_517, %swap3A_518] {strides = array<i32>} : memref<2x512xi32, #tpu.memory_space<vmem>>, vector<1x16xi32>,
      %swap3A_520 = vector.shape_cast %swap3A_519 : vector<1x16xi32> to vector<16xi32>
      %swap3A_521 = vector.shape_cast %mul3A_515 : vector<16xi32> to vector<1x16xi32>
      tpu.vector_store %arg5[%swap3A_517, %swap3A_518], %swap3A_521 {strides = array<i32>} : memref<2x512xi32, #tpu.memory_space<vmem>>, vector<1x16xi32>,
      %get3A_522 = arith.constant 0 : i32
      %get3A_523 = arith.index_cast %get3A_522 : i32 to index
      %get3A_524 = arith.constant 496 : index
      %get3A_525 = tpu.vector_load %arg5[%get3A_523, %get3A_524] {strides = array<i32>} : memref<2x512xi32, #tpu.memory_space<vmem>>, vector<1x16xi32>,
      %get3A_526 = vector.shape_cast %get3A_525 : vector<1x16xi32> to vector<16xi32>
      %mul3A_527 = arith.constant 4 : i32
      %mul3A_528 = vector.broadcast %mul3A_527 : i32 to vector<16xi32>
      %mul3A_529 = arith.muli %get3A_526, %mul3A_528 : vector<16xi32>
      %swap3A_530 = arith.constant 0 : i32
      %swap3A_531 = arith.index_cast %swap3A_530 : i32 to index
      %swap3A_532 = arith.constant 496 : index
      %swap3A_533 = tpu.vector_load %arg5[%swap3A_531, %swap3A_532] {strides = array<i32>} : memref<2x512xi32, #tpu.memory_space<vmem>>, vector<1x16xi32>,
      %swap3A_534 = vector.shape_cast %swap3A_533 : vector<1x16xi32> to vector<16xi32>
      %swap3A_535 = vector.shape_cast %mul3A_529 : vector<16xi32> to vector<1x16xi32>
      tpu.vector_store %arg5[%swap3A_531, %swap3A_532], %swap3A_535 {strides = array<i32>} : memref<2x512xi32, #tpu.memory_space<vmem>>, vector<1x16xi32>,
      %dma_start3A_536 = arith.constant 0 : i32
      %dma_start3A_537 = arith.constant 0 : i32
      %dma_start3A_538 = arith.constant 0 : i32
      %dma_start3A_539 = arith.constant 0 : i32
      %dma_start3A_540 = arith.constant 0 : i32
      %dma_start3A_541 = tpu.memref_slice %arg6[%dma_start3A_537, %dma_start3A_539, %dma_start3A_540] : memref<2x512x32xf32, #tpu.memory_space<vmem>> -> memref<1x512x32xf32, #tpu.memory_space<vmem>>
      %dma_start3A_542 = tpu.memref_squeeze %dma_start3A_541 : memref<1x512x32xf32, #tpu.memory_space<vmem>> -> memref<512x32xf32, #tpu.memory_space<vmem>>
      %dma_start3A_543 = arith.constant 0 : i32
      %dma_start3A_544 = tpu.memref_slice %arg5[%dma_start3A_536, %dma_start3A_543] : memref<2x512xi32, #tpu.memory_space<vmem>> -> memref<1x512xi32, #tpu.memory_space<vmem>>
      %dma_start3A_545 = tpu.memref_squeeze %dma_start3A_544 : memref<1x512xi32, #tpu.memory_space<vmem>> -> memref<512xi32, #tpu.memory_space<vmem>>
      %dma_start3A_546 = arith.constant 0 : i32
      %dma_start3A_547 = arith.constant 0 : i32
      %dma_start3A_548 = tpu.memref_slice %arg3[%dma_start3A_546, %dma_start3A_547] : memref<4000000x32xf32, #tpu.memory_space<hbm>> -> memref<4000000x32xf32, #tpu.memory_space<hbm>>
      %dma_start3A_549 = tpu.memref_slice %arg9[%dma_start3A_538] : memref<2x!tpu.dma_semaphore, #tpu.memory_space<semaphore_mem>> -> memref<1x!tpu.dma_semaphore, #tpu.memory_space<semaphore_mem>>
      %dma_start3A_550 = tpu.memref_squeeze %dma_start3A_549 : memref<1x!tpu.dma_semaphore, #tpu.memory_space<semaphore_mem>> -> memref<!tpu.dma_semaphore, #tpu.memory_space<semaphore_mem>>
      tpu.enqueue_indirect_dma source(%dma_start3A_548 : memref<4000000x32xf32, #tpu.memory_space<hbm>>) target(%dma_start3A_542 : memref<512x32xf32, #tpu.memory_space<vmem>>) offsets(%dma_start3A_545 : memref<512xi32, #tpu.memory_space<vmem>>) semaphore(%dma_start3A_550 : memref<!tpu.dma_semaphore, #tpu.memory_space<semaphore_mem>>)
      %dma_wait3A_551 = arith.constant 1 : i32
      %dma_wait3A_552 = arith.constant 1 : i32
      %dma_wait3A_553 = arith.constant 0 : i32
      %dma_wait3A_554 = tpu.memref_slice %arg5[%dma_wait3A_551, %dma_wait3A_553] : memref<2x512xi32, #tpu.memory_space<vmem>> -> memref<1x512xi32, #tpu.memory_space<vmem>>
      %dma_wait3A_555 = tpu.memref_squeeze %dma_wait3A_554 : memref<1x512xi32, #tpu.memory_space<vmem>> -> memref<512xi32, #tpu.memory_space<vmem>>
      %dma_wait3A_556 = tpu.memref_slice %arg2[%add3A_65] : memref<425984xi32, #tpu.memory_space<hbm>> -> memref<512xi32, #tpu.memory_space<hbm>>
      %dma_wait3A_557 = tpu.memref_slice %arg8[%dma_wait3A_552] : memref<2x!tpu.dma_semaphore, #tpu.memory_space<semaphore_mem>> -> memref<1x!tpu.dma_semaphore, #tpu.memory_space<semaphore_mem>>
      %dma_wait3A_558 = tpu.memref_squeeze %dma_wait3A_557 : memref<1x!tpu.dma_semaphore, #tpu.memory_space<semaphore_mem>> -> memref<!tpu.dma_semaphore, #tpu.memory_space<semaphore_mem>>
      %dma_wait3A_559 = arith.constant 0 : i32
      %dma_wait3A_560 = tpu.memref_slice %arg5[%dma_wait3A_551, %dma_wait3A_559] : memref<2x512xi32, #tpu.memory_space<vmem>> -> memref<1x512xi32, #tpu.memory_space<vmem>>
      %dma_wait3A_561 = tpu.memref_squeeze %dma_wait3A_560 : memref<1x512xi32, #tpu.memory_space<vmem>> -> memref<512xi32, #tpu.memory_space<vmem>>
      %dma_wait3A_562 = tpu.memref_slice %arg2[%add3A_65] : memref<425984xi32, #tpu.memory_space<hbm>> -> memref<512xi32, #tpu.memory_space<hbm>>
      tpu.wait_dma2 semaphore(%dma_wait3A_558 : memref<!tpu.dma_semaphore, #tpu.memory_space<semaphore_mem>>) src(%dma_wait3A_562 : memref<512xi32, #tpu.memory_space<hbm>>) dst(%dma_wait3A_561 : memref<512xi32, #tpu.memory_space<vmem>>)
      %get3A_563 = arith.constant 1 : i32
      %get3A_564 = arith.index_cast %get3A_563 : i32 to index
      %get3A_565 = arith.constant 0 : index
      %get3A_566 = tpu.vector_load %arg5[%get3A_564, %get3A_565] {strides = array<i32>} : memref<2x512xi32, #tpu.memory_space<vmem>>, vector<1x16xi32>,
      %get3A_567 = vector.shape_cast %get3A_566 : vector<1x16xi32> to vector<16xi32>
      %mul3A_568 = arith.constant 4 : i32
      %mul3A_569 = vector.broadcast %mul3A_568 : i32 to vector<16xi32>
      %mul3A_570 = arith.muli %get3A_567, %mul3A_569 : vector<16xi32>
      %swap3A_571 = arith.constant 1 : i32
      %swap3A_572 = arith.index_cast %swap3A_571 : i32 to index
      %swap3A_573 = arith.constant 0 : index
      %swap3A_574 = tpu.vector_load %arg5[%swap3A_572, %swap3A_573] {strides = array<i32>} : memref<2x512xi32, #tpu.memory_space<vmem>>, vector<1x16xi32>,
      %swap3A_575 = vector.shape_cast %swap3A_574 : vector<1x16xi32> to vector<16xi32>
      %swap3A_576 = vector.shape_cast %mul3A_570 : vector<16xi32> to vector<1x16xi32>
      tpu.vector_store %arg5[%swap3A_572, %swap3A_573], %swap3A_576 {strides = array<i32>} : memref<2x512xi32, #tpu.memory_space<vmem>>, vector<1x16xi32>,
      %get3A_577 = arith.constant 1 : i32
      %get3A_578 = arith.index_cast %get3A_577 : i32 to index
      %get3A_579 = arith.constant 16 : index
      %get3A_580 = tpu.vector_load %arg5[%get3A_578, %get3A_579] {strides = array<i32>} : memref<2x512xi32, #tpu.memory_space<vmem>>, vector<1x16xi32>,
      %get3A_581 = vector.shape_cast %get3A_580 : vector<1x16xi32> to vector<16xi32>
      %mul3A_582 = arith.constant 4 : i32
      %mul3A_583 = vector.broadcast %mul3A_582 : i32 to vector<16xi32>
      %mul3A_584 = arith.muli %get3A_581, %mul3A_583 : vector<16xi32>
      %swap3A_585 = arith.constant 1 : i32
      %swap3A_586 = arith.index_cast %swap3A_585 : i32 to index
      %swap3A_587 = arith.constant 16 : index
      %swap3A_588 = tpu.vector_load %arg5[%swap3A_586, %swap3A_587] {strides = array<i32>} : memref<2x512xi32, #tpu.memory_space<vmem>>, vector<1x16xi32>,
      %swap3A_589 = vector.shape_cast %swap3A_588 : vector<1x16xi32> to vector<16xi32>
      %swap3A_590 = vector.shape_cast %mul3A_584 : vector<16xi32> to vector<1x16xi32>
      tpu.vector_store %arg5[%swap3A_586, %swap3A_587], %swap3A_590 {strides = array<i32>} : memref<2x512xi32, #tpu.memory_space<vmem>>, vector<1x16xi32>,
      %get3A_591 = arith.constant 1 : i32
      %get3A_592 = arith.index_cast %get3A_591 : i32 to index
      %get3A_593 = arith.constant 32 : index
      %get3A_594 = tpu.vector_load %arg5[%get3A_592, %get3A_593] {strides = array<i32>} : memref<2x512xi32, #tpu.memory_space<vmem>>, vector<1x16xi32>,
      %get3A_595 = vector.shape_cast %get3A_594 : vector<1x16xi32> to vector<16xi32>
      %mul3A_596 = arith.constant 4 : i32
      %mul3A_597 = vector.broadcast %mul3A_596 : i32 to vector<16xi32>
      %mul3A_598 = arith.muli %get3A_595, %mul3A_597 : vector<16xi32>
      %swap3A_599 = arith.constant 1 : i32
      %swap3A_600 = arith.index_cast %swap3A_599 : i32 to index
      %swap3A_601 = arith.constant 32 : index
      %swap3A_602 = tpu.vector_load %arg5[%swap3A_600, %swap3A_601] {strides = array<i32>} : memref<2x512xi32, #tpu.memory_space<vmem>>, vector<1x16xi32>,
      %swap3A_603 = vector.shape_cast %swap3A_602 : vector<1x16xi32> to vector<16xi32>
      %swap3A_604 = vector.shape_cast %mul3A_598 : vector<16xi32> to vector<1x16xi32>
      tpu.vector_store %arg5[%swap3A_600, %swap3A_601], %swap3A_604 {strides = array<i32>} : memref<2x512xi32, #tpu.memory_space<vmem>>, vector<1x16xi32>,
      %get3A_605 = arith.constant 1 : i32
      %get3A_606 = arith.index_cast %get3A_605 : i32 to index
      %get3A_607 = arith.constant 48 : index
      %get3A_608 = tpu.vector_load %arg5[%get3A_606, %get3A_607] {strides = array<i32>} : memref<2x512xi32, #tpu.memory_space<vmem>>, vector<1x16xi32>,
      %get3A_609 = vector.shape_cast %get3A_608 : vector<1x16xi32> to vector<16xi32>
      %mul3A_610 = arith.constant 4 : i32
      %mul3A_611 = vector.broadcast %mul3A_610 : i32 to vector<16xi32>
      %mul3A_612 = arith.muli %get3A_609, %mul3A_611 : vector<16xi32>
      %swap3A_613 = arith.constant 1 : i32
      %swap3A_614 = arith.index_cast %swap3A_613 : i32 to index
      %swap3A_615 = arith.constant 48 : index
      %swap3A_616 = tpu.vector_load %arg5[%swap3A_614, %swap3A_615] {strides = array<i32>} : memref<2x512xi32, #tpu.memory_space<vmem>>, vector<1x16xi32>,
      %swap3A_617 = vector.shape_cast %swap3A_616 : vector<1x16xi32> to vector<16xi32>
      %swap3A_618 = vector.shape_cast %mul3A_612 : vector<16xi32> to vector<1x16xi32>
      tpu.vector_store %arg5[%swap3A_614, %swap3A_615], %swap3A_618 {strides = array<i32>} : memref<2x512xi32, #tpu.memory_space<vmem>>, vector<1x16xi32>,
      %get3A_619 = arith.constant 1 : i32
      %get3A_620 = arith.index_cast %get3A_619 : i32 to index
      %get3A_621 = arith.constant 64 : index
      %get3A_622 = tpu.vector_load %arg5[%get3A_620, %get3A_621] {strides = array<i32>} : memref<2x512xi32, #tpu.memory_space<vmem>>, vector<1x16xi32>,
      %get3A_623 = vector.shape_cast %get3A_622 : vector<1x16xi32> to vector<16xi32>
      %mul3A_624 = arith.constant 4 : i32
      %mul3A_625 = vector.broadcast %mul3A_624 : i32 to vector<16xi32>
      %mul3A_626 = arith.muli %get3A_623, %mul3A_625 : vector<16xi32>
      %swap3A_627 = arith.constant 1 : i32
      %swap3A_628 = arith.index_cast %swap3A_627 : i32 to index
      %swap3A_629 = arith.constant 64 : index
      %swap3A_630 = tpu.vector_load %arg5[%swap3A_628, %swap3A_629] {strides = array<i32>} : memref<2x512xi32, #tpu.memory_space<vmem>>, vector<1x16xi32>,
      %swap3A_631 = vector.shape_cast %swap3A_630 : vector<1x16xi32> to vector<16xi32>
      %swap3A_632 = vector.shape_cast %mul3A_626 : vector<16xi32> to vector<1x16xi32>
      tpu.vector_store %arg5[%swap3A_628, %swap3A_629], %swap3A_632 {strides = array<i32>} : memref<2x512xi32, #tpu.memory_space<vmem>>, vector<1x16xi32>,
      %get3A_633 = arith.constant 1 : i32
      %get3A_634 = arith.index_cast %get3A_633 : i32 to index
      %get3A_635 = arith.constant 80 : index
      %get3A_636 = tpu.vector_load %arg5[%get3A_634, %get3A_635] {strides = array<i32>} : memref<2x512xi32, #tpu.memory_space<vmem>>, vector<1x16xi32>,
      %get3A_637 = vector.shape_cast %get3A_636 : vector<1x16xi32> to vector<16xi32>
      %mul3A_638 = arith.constant 4 : i32
      %mul3A_639 = vector.broadcast %mul3A_638 : i32 to vector<16xi32>
      %mul3A_640 = arith.muli %get3A_637, %mul3A_639 : vector<16xi32>
      %swap3A_641 = arith.constant 1 : i32
      %swap3A_642 = arith.index_cast %swap3A_641 : i32 to index
      %swap3A_643 = arith.constant 80 : index
      %swap3A_644 = tpu.vector_load %arg5[%swap3A_642, %swap3A_643] {strides = array<i32>} : memref<2x512xi32, #tpu.memory_space<vmem>>, vector<1x16xi32>,
      %swap3A_645 = vector.shape_cast %swap3A_644 : vector<1x16xi32> to vector<16xi32>
      %swap3A_646 = vector.shape_cast %mul3A_640 : vector<16xi32> to vector<1x16xi32>
      tpu.vector_store %arg5[%swap3A_642, %swap3A_643], %swap3A_646 {strides = array<i32>} : memref<2x512xi32, #tpu.memory_space<vmem>>, vector<1x16xi32>,
      %get3A_647 = arith.constant 1 : i32
      %get3A_648 = arith.index_cast %get3A_647 : i32 to index
      %get3A_649 = arith.constant 96 : index
      %get3A_650 = tpu.vector_load %arg5[%get3A_648, %get3A_649] {strides = array<i32>} : memref<2x512xi32, #tpu.memory_space<vmem>>, vector<1x16xi32>,
      %get3A_651 = vector.shape_cast %get3A_650 : vector<1x16xi32> to vector<16xi32>
      %mul3A_652 = arith.constant 4 : i32
      %mul3A_653 = vector.broadcast %mul3A_652 : i32 to vector<16xi32>
      %mul3A_654 = arith.muli %get3A_651, %mul3A_653 : vector<16xi32>
      %swap3A_655 = arith.constant 1 : i32
      %swap3A_656 = arith.index_cast %swap3A_655 : i32 to index
      %swap3A_657 = arith.constant 96 : index
      %swap3A_658 = tpu.vector_load %arg5[%swap3A_656, %swap3A_657] {strides = array<i32>} : memref<2x512xi32, #tpu.memory_space<vmem>>, vector<1x16xi32>,
      %swap3A_659 = vector.shape_cast %swap3A_658 : vector<1x16xi32> to vector<16xi32>
      %swap3A_660 = vector.shape_cast %mul3A_654 : vector<16xi32> to vector<1x16xi32>
      tpu.vector_store %arg5[%swap3A_656, %swap3A_657], %swap3A_660 {strides = array<i32>} : memref<2x512xi32, #tpu.memory_space<vmem>>, vector<1x16xi32>,
      %get3A_661 = arith.constant 1 : i32
      %get3A_662 = arith.index_cast %get3A_661 : i32 to index
      %get3A_663 = arith.constant 112 : index
      %get3A_664 = tpu.vector_load %arg5[%get3A_662, %get3A_663] {strides = array<i32>} : memref<2x512xi32, #tpu.memory_space<vmem>>, vector<1x16xi32>,
      %get3A_665 = vector.shape_cast %get3A_664 : vector<1x16xi32> to vector<16xi32>
      %mul3A_666 = arith.constant 4 : i32
      %mul3A_667 = vector.broadcast %mul3A_666 : i32 to vector<16xi32>
      %mul3A_668 = arith.muli %get3A_665, %mul3A_667 : vector<16xi32>
      %swap3A_669 = arith.constant 1 : i32
      %swap3A_670 = arith.index_cast %swap3A_669 : i32 to index
      %swap3A_671 = arith.constant 112 : index
      %swap3A_672 = tpu.vector_load %arg5[%swap3A_670, %swap3A_671] {strides = array<i32>} : memref<2x512xi32, #tpu.memory_space<vmem>>, vector<1x16xi32>,
      %swap3A_673 = vector.shape_cast %swap3A_672 : vector<1x16xi32> to vector<16xi32>
      %swap3A_674 = vector.shape_cast %mul3A_668 : vector<16xi32> to vector<1x16xi32>
      tpu.vector_store %arg5[%swap3A_670, %swap3A_671], %swap3A_674 {strides = array<i32>} : memref<2x512xi32, #tpu.memory_space<vmem>>, vector<1x16xi32>,
      %get3A_675 = arith.constant 1 : i32
      %get3A_676 = arith.index_cast %get3A_675 : i32 to index
      %get3A_677 = arith.constant 128 : index
      %get3A_678 = tpu.vector_load %arg5[%get3A_676, %get3A_677] {strides = array<i32>} : memref<2x512xi32, #tpu.memory_space<vmem>>, vector<1x16xi32>,
      %get3A_679 = vector.shape_cast %get3A_678 : vector<1x16xi32> to vector<16xi32>
      %mul3A_680 = arith.constant 4 : i32
      %mul3A_681 = vector.broadcast %mul3A_680 : i32 to vector<16xi32>
      %mul3A_682 = arith.muli %get3A_679, %mul3A_681 : vector<16xi32>
      %swap3A_683 = arith.constant 1 : i32
      %swap3A_684 = arith.index_cast %swap3A_683 : i32 to index
      %swap3A_685 = arith.constant 128 : index
      %swap3A_686 = tpu.vector_load %arg5[%swap3A_684, %swap3A_685] {strides = array<i32>} : memref<2x512xi32, #tpu.memory_space<vmem>>, vector<1x16xi32>,
      %swap3A_687 = vector.shape_cast %swap3A_686 : vector<1x16xi32> to vector<16xi32>
      %swap3A_688 = vector.shape_cast %mul3A_682 : vector<16xi32> to vector<1x16xi32>
      tpu.vector_store %arg5[%swap3A_684, %swap3A_685], %swap3A_688 {strides = array<i32>} : memref<2x512xi32, #tpu.memory_space<vmem>>, vector<1x16xi32>,
      %get3A_689 = arith.constant 1 : i32
      %get3A_690 = arith.index_cast %get3A_689 : i32 to index
      %get3A_691 = arith.constant 144 : index
      %get3A_692 = tpu.vector_load %arg5[%get3A_690, %get3A_691] {strides = array<i32>} : memref<2x512xi32, #tpu.memory_space<vmem>>, vector<1x16xi32>,
      %get3A_693 = vector.shape_cast %get3A_692 : vector<1x16xi32> to vector<16xi32>
      %mul3A_694 = arith.constant 4 : i32
      %mul3A_695 = vector.broadcast %mul3A_694 : i32 to vector<16xi32>
      %mul3A_696 = arith.muli %get3A_693, %mul3A_695 : vector<16xi32>
      %swap3A_697 = arith.constant 1 : i32
      %swap3A_698 = arith.index_cast %swap3A_697 : i32 to index
      %swap3A_699 = arith.constant 144 : index
      %swap3A_700 = tpu.vector_load %arg5[%swap3A_698, %swap3A_699] {strides = array<i32>} : memref<2x512xi32, #tpu.memory_space<vmem>>, vector<1x16xi32>,
      %swap3A_701 = vector.shape_cast %swap3A_700 : vector<1x16xi32> to vector<16xi32>
      %swap3A_702 = vector.shape_cast %mul3A_696 : vector<16xi32> to vector<1x16xi32>
      tpu.vector_store %arg5[%swap3A_698, %swap3A_699], %swap3A_702 {strides = array<i32>} : memref<2x512xi32, #tpu.memory_space<vmem>>, vector<1x16xi32>,
      %get3A_703 = arith.constant 1 : i32
      %get3A_704 = arith.index_cast %get3A_703 : i32 to index
      %get3A_705 = arith.constant 160 : index
      %get3A_706 = tpu.vector_load %arg5[%get3A_704, %get3A_705] {strides = array<i32>} : memref<2x512xi32, #tpu.memory_space<vmem>>, vector<1x16xi32>,
      %get3A_707 = vector.shape_cast %get3A_706 : vector<1x16xi32> to vector<16xi32>
      %mul3A_708 = arith.constant 4 : i32
      %mul3A_709 = vector.broadcast %mul3A_708 : i32 to vector<16xi32>
      %mul3A_710 = arith.muli %get3A_707, %mul3A_709 : vector<16xi32>
      %swap3A_711 = arith.constant 1 : i32
      %swap3A_712 = arith.index_cast %swap3A_711 : i32 to index
      %swap3A_713 = arith.constant 160 : index
      %swap3A_714 = tpu.vector_load %arg5[%swap3A_712, %swap3A_713] {strides = array<i32>} : memref<2x512xi32, #tpu.memory_space<vmem>>, vector<1x16xi32>,
      %swap3A_715 = vector.shape_cast %swap3A_714 : vector<1x16xi32> to vector<16xi32>
      %swap3A_716 = vector.shape_cast %mul3A_710 : vector<16xi32> to vector<1x16xi32>
      tpu.vector_store %arg5[%swap3A_712, %swap3A_713], %swap3A_716 {strides = array<i32>} : memref<2x512xi32, #tpu.memory_space<vmem>>, vector<1x16xi32>,
      %get3A_717 = arith.constant 1 : i32
      %get3A_718 = arith.index_cast %get3A_717 : i32 to index
      %get3A_719 = arith.constant 176 : index
      %get3A_720 = tpu.vector_load %arg5[%get3A_718, %get3A_719] {strides = array<i32>} : memref<2x512xi32, #tpu.memory_space<vmem>>, vector<1x16xi32>,
      %get3A_721 = vector.shape_cast %get3A_720 : vector<1x16xi32> to vector<16xi32>
      %mul3A_722 = arith.constant 4 : i32
      %mul3A_723 = vector.broadcast %mul3A_722 : i32 to vector<16xi32>
      %mul3A_724 = arith.muli %get3A_721, %mul3A_723 : vector<16xi32>
      %swap3A_725 = arith.constant 1 : i32
      %swap3A_726 = arith.index_cast %swap3A_725 : i32 to index
      %swap3A_727 = arith.constant 176 : index
      %swap3A_728 = tpu.vector_load %arg5[%swap3A_726, %swap3A_727] {strides = array<i32>} : memref<2x512xi32, #tpu.memory_space<vmem>>, vector<1x16xi32>,
      %swap3A_729 = vector.shape_cast %swap3A_728 : vector<1x16xi32> to vector<16xi32>
      %swap3A_730 = vector.shape_cast %mul3A_724 : vector<16xi32> to vector<1x16xi32>
      tpu.vector_store %arg5[%swap3A_726, %swap3A_727], %swap3A_730 {strides = array<i32>} : memref<2x512xi32, #tpu.memory_space<vmem>>, vector<1x16xi32>,
      %get3A_731 = arith.constant 1 : i32
      %get3A_732 = arith.index_cast %get3A_731 : i32 to index
      %get3A_733 = arith.constant 192 : index
      %get3A_734 = tpu.vector_load %arg5[%get3A_732, %get3A_733] {strides = array<i32>} : memref<2x512xi32, #tpu.memory_space<vmem>>, vector<1x16xi32>,
      %get3A_735 = vector.shape_cast %get3A_734 : vector<1x16xi32> to vector<16xi32>
      %mul3A_736 = arith.constant 4 : i32
      %mul3A_737 = vector.broadcast %mul3A_736 : i32 to vector<16xi32>
      %mul3A_738 = arith.muli %get3A_735, %mul3A_737 : vector<16xi32>
      %swap3A_739 = arith.constant 1 : i32
      %swap3A_740 = arith.index_cast %swap3A_739 : i32 to index
      %swap3A_741 = arith.constant 192 : index
      %swap3A_742 = tpu.vector_load %arg5[%swap3A_740, %swap3A_741] {strides = array<i32>} : memref<2x512xi32, #tpu.memory_space<vmem>>, vector<1x16xi32>,
      %swap3A_743 = vector.shape_cast %swap3A_742 : vector<1x16xi32> to vector<16xi32>
      %swap3A_744 = vector.shape_cast %mul3A_738 : vector<16xi32> to vector<1x16xi32>
      tpu.vector_store %arg5[%swap3A_740, %swap3A_741], %swap3A_744 {strides = array<i32>} : memref<2x512xi32, #tpu.memory_space<vmem>>, vector<1x16xi32>,
      %get3A_745 = arith.constant 1 : i32
      %get3A_746 = arith.index_cast %get3A_745 : i32 to index
      %get3A_747 = arith.constant 208 : index
      %get3A_748 = tpu.vector_load %arg5[%get3A_746, %get3A_747] {strides = array<i32>} : memref<2x512xi32, #tpu.memory_space<vmem>>, vector<1x16xi32>,
      %get3A_749 = vector.shape_cast %get3A_748 : vector<1x16xi32> to vector<16xi32>
      %mul3A_750 = arith.constant 4 : i32
      %mul3A_751 = vector.broadcast %mul3A_750 : i32 to vector<16xi32>
      %mul3A_752 = arith.muli %get3A_749, %mul3A_751 : vector<16xi32>
      %swap3A_753 = arith.constant 1 : i32
      %swap3A_754 = arith.index_cast %swap3A_753 : i32 to index
      %swap3A_755 = arith.constant 208 : index
      %swap3A_756 = tpu.vector_load %arg5[%swap3A_754, %swap3A_755] {strides = array<i32>} : memref<2x512xi32, #tpu.memory_space<vmem>>, vector<1x16xi32>,
      %swap3A_757 = vector.shape_cast %swap3A_756 : vector<1x16xi32> to vector<16xi32>
      %swap3A_758 = vector.shape_cast %mul3A_752 : vector<16xi32> to vector<1x16xi32>
      tpu.vector_store %arg5[%swap3A_754, %swap3A_755], %swap3A_758 {strides = array<i32>} : memref<2x512xi32, #tpu.memory_space<vmem>>, vector<1x16xi32>,
      %get3A_759 = arith.constant 1 : i32
      %get3A_760 = arith.index_cast %get3A_759 : i32 to index
      %get3A_761 = arith.constant 224 : index
      %get3A_762 = tpu.vector_load %arg5[%get3A_760, %get3A_761] {strides = array<i32>} : memref<2x512xi32, #tpu.memory_space<vmem>>, vector<1x16xi32>,
      %get3A_763 = vector.shape_cast %get3A_762 : vector<1x16xi32> to vector<16xi32>
      %mul3A_764 = arith.constant 4 : i32
      %mul3A_765 = vector.broadcast %mul3A_764 : i32 to vector<16xi32>
      %mul3A_766 = arith.muli %get3A_763, %mul3A_765 : vector<16xi32>
      %swap3A_767 = arith.constant 1 : i32
      %swap3A_768 = arith.index_cast %swap3A_767 : i32 to index
      %swap3A_769 = arith.constant 224 : index
      %swap3A_770 = tpu.vector_load %arg5[%swap3A_768, %swap3A_769] {strides = array<i32>} : memref<2x512xi32, #tpu.memory_space<vmem>>, vector<1x16xi32>,
      %swap3A_771 = vector.shape_cast %swap3A_770 : vector<1x16xi32> to vector<16xi32>
      %swap3A_772 = vector.shape_cast %mul3A_766 : vector<16xi32> to vector<1x16xi32>
      tpu.vector_store %arg5[%swap3A_768, %swap3A_769], %swap3A_772 {strides = array<i32>} : memref<2x512xi32, #tpu.memory_space<vmem>>, vector<1x16xi32>,
      %get3A_773 = arith.constant 1 : i32
      %get3A_774 = arith.index_cast %get3A_773 : i32 to index
      %get3A_775 = arith.constant 240 : index
      %get3A_776 = tpu.vector_load %arg5[%get3A_774, %get3A_775] {strides = array<i32>} : memref<2x512xi32, #tpu.memory_space<vmem>>, vector<1x16xi32>,
      %get3A_777 = vector.shape_cast %get3A_776 : vector<1x16xi32> to vector<16xi32>
      %mul3A_778 = arith.constant 4 : i32
      %mul3A_779 = vector.broadcast %mul3A_778 : i32 to vector<16xi32>
      %mul3A_780 = arith.muli %get3A_777, %mul3A_779 : vector<16xi32>
      %swap3A_781 = arith.constant 1 : i32
      %swap3A_782 = arith.index_cast %swap3A_781 : i32 to index
      %swap3A_783 = arith.constant 240 : index
      %swap3A_784 = tpu.vector_load %arg5[%swap3A_782, %swap3A_783] {strides = array<i32>} : memref<2x512xi32, #tpu.memory_space<vmem>>, vector<1x16xi32>,
      %swap3A_785 = vector.shape_cast %swap3A_784 : vector<1x16xi32> to vector<16xi32>
      %swap3A_786 = vector.shape_cast %mul3A_780 : vector<16xi32> to vector<1x16xi32>
      tpu.vector_store %arg5[%swap3A_782, %swap3A_783], %swap3A_786 {strides = array<i32>} : memref<2x512xi32, #tpu.memory_space<vmem>>, vector<1x16xi32>,
      %get3A_787 = arith.constant 1 : i32
      %get3A_788 = arith.index_cast %get3A_787 : i32 to index
      %get3A_789 = arith.constant 256 : index
      %get3A_790 = tpu.vector_load %arg5[%get3A_788, %get3A_789] {strides = array<i32>} : memref<2x512xi32, #tpu.memory_space<vmem>>, vector<1x16xi32>,
      %get3A_791 = vector.shape_cast %get3A_790 : vector<1x16xi32> to vector<16xi32>
      %mul3A_792 = arith.constant 4 : i32
      %mul3A_793 = vector.broadcast %mul3A_792 : i32 to vector<16xi32>
      %mul3A_794 = arith.muli %get3A_791, %mul3A_793 : vector<16xi32>
      %swap3A_795 = arith.constant 1 : i32
      %swap3A_796 = arith.index_cast %swap3A_795 : i32 to index
      %swap3A_797 = arith.constant 256 : index
      %swap3A_798 = tpu.vector_load %arg5[%swap3A_796, %swap3A_797] {strides = array<i32>} : memref<2x512xi32, #tpu.memory_space<vmem>>, vector<1x16xi32>,
      %swap3A_799 = vector.shape_cast %swap3A_798 : vector<1x16xi32> to vector<16xi32>
      %swap3A_800 = vector.shape_cast %mul3A_794 : vector<16xi32> to vector<1x16xi32>
      tpu.vector_store %arg5[%swap3A_796, %swap3A_797], %swap3A_800 {strides = array<i32>} : memref<2x512xi32, #tpu.memory_space<vmem>>, vector<1x16xi32>,
      %get3A_801 = arith.constant 1 : i32
      %get3A_802 = arith.index_cast %get3A_801 : i32 to index
      %get3A_803 = arith.constant 272 : index
      %get3A_804 = tpu.vector_load %arg5[%get3A_802, %get3A_803] {strides = array<i32>} : memref<2x512xi32, #tpu.memory_space<vmem>>, vector<1x16xi32>,
      %get3A_805 = vector.shape_cast %get3A_804 : vector<1x16xi32> to vector<16xi32>
      %mul3A_806 = arith.constant 4 : i32
      %mul3A_807 = vector.broadcast %mul3A_806 : i32 to vector<16xi32>
      %mul3A_808 = arith.muli %get3A_805, %mul3A_807 : vector<16xi32>
      %swap3A_809 = arith.constant 1 : i32
      %swap3A_810 = arith.index_cast %swap3A_809 : i32 to index
      %swap3A_811 = arith.constant 272 : index
      %swap3A_812 = tpu.vector_load %arg5[%swap3A_810, %swap3A_811] {strides = array<i32>} : memref<2x512xi32, #tpu.memory_space<vmem>>, vector<1x16xi32>,
      %swap3A_813 = vector.shape_cast %swap3A_812 : vector<1x16xi32> to vector<16xi32>
      %swap3A_814 = vector.shape_cast %mul3A_808 : vector<16xi32> to vector<1x16xi32>
      tpu.vector_store %arg5[%swap3A_810, %swap3A_811], %swap3A_814 {strides = array<i32>} : memref<2x512xi32, #tpu.memory_space<vmem>>, vector<1x16xi32>,
      %get3A_815 = arith.constant 1 : i32
      %get3A_816 = arith.index_cast %get3A_815 : i32 to index
      %get3A_817 = arith.constant 288 : index
      %get3A_818 = tpu.vector_load %arg5[%get3A_816, %get3A_817] {strides = array<i32>} : memref<2x512xi32, #tpu.memory_space<vmem>>, vector<1x16xi32>,
      %get3A_819 = vector.shape_cast %get3A_818 : vector<1x16xi32> to vector<16xi32>
      %mul3A_820 = arith.constant 4 : i32
      %mul3A_821 = vector.broadcast %mul3A_820 : i32 to vector<16xi32>
      %mul3A_822 = arith.muli %get3A_819, %mul3A_821 : vector<16xi32>
      %swap3A_823 = arith.constant 1 : i32
      %swap3A_824 = arith.index_cast %swap3A_823 : i32 to index
      %swap3A_825 = arith.constant 288 : index
      %swap3A_826 = tpu.vector_load %arg5[%swap3A_824, %swap3A_825] {strides = array<i32>} : memref<2x512xi32, #tpu.memory_space<vmem>>, vector<1x16xi32>,
      %swap3A_827 = vector.shape_cast %swap3A_826 : vector<1x16xi32> to vector<16xi32>
      %swap3A_828 = vector.shape_cast %mul3A_822 : vector<16xi32> to vector<1x16xi32>
      tpu.vector_store %arg5[%swap3A_824, %swap3A_825], %swap3A_828 {strides = array<i32>} : memref<2x512xi32, #tpu.memory_space<vmem>>, vector<1x16xi32>,
      %get3A_829 = arith.constant 1 : i32
      %get3A_830 = arith.index_cast %get3A_829 : i32 to index
      %get3A_831 = arith.constant 304 : index
      %get3A_832 = tpu.vector_load %arg5[%get3A_830, %get3A_831] {strides = array<i32>} : memref<2x512xi32, #tpu.memory_space<vmem>>, vector<1x16xi32>,
      %get3A_833 = vector.shape_cast %get3A_832 : vector<1x16xi32> to vector<16xi32>
      %mul3A_834 = arith.constant 4 : i32
      %mul3A_835 = vector.broadcast %mul3A_834 : i32 to vector<16xi32>
      %mul3A_836 = arith.muli %get3A_833, %mul3A_835 : vector<16xi32>
      %swap3A_837 = arith.constant 1 : i32
      %swap3A_838 = arith.index_cast %swap3A_837 : i32 to index
      %swap3A_839 = arith.constant 304 : index
      %swap3A_840 = tpu.vector_load %arg5[%swap3A_838, %swap3A_839] {strides = array<i32>} : memref<2x512xi32, #tpu.memory_space<vmem>>, vector<1x16xi32>,
      %swap3A_841 = vector.shape_cast %swap3A_840 : vector<1x16xi32> to vector<16xi32>
      %swap3A_842 = vector.shape_cast %mul3A_836 : vector<16xi32> to vector<1x16xi32>
      tpu.vector_store %arg5[%swap3A_838, %swap3A_839], %swap3A_842 {strides = array<i32>} : memref<2x512xi32, #tpu.memory_space<vmem>>, vector<1x16xi32>,
      %get3A_843 = arith.constant 1 : i32
      %get3A_844 = arith.index_cast %get3A_843 : i32 to index
      %get3A_845 = arith.constant 320 : index
      %get3A_846 = tpu.vector_load %arg5[%get3A_844, %get3A_845] {strides = array<i32>} : memref<2x512xi32, #tpu.memory_space<vmem>>, vector<1x16xi32>,
      %get3A_847 = vector.shape_cast %get3A_846 : vector<1x16xi32> to vector<16xi32>
      %mul3A_848 = arith.constant 4 : i32
      %mul3A_849 = vector.broadcast %mul3A_848 : i32 to vector<16xi32>
      %mul3A_850 = arith.muli %get3A_847, %mul3A_849 : vector<16xi32>
      %swap3A_851 = arith.constant 1 : i32
      %swap3A_852 = arith.index_cast %swap3A_851 : i32 to index
      %swap3A_853 = arith.constant 320 : index
      %swap3A_854 = tpu.vector_load %arg5[%swap3A_852, %swap3A_853] {strides = array<i32>} : memref<2x512xi32, #tpu.memory_space<vmem>>, vector<1x16xi32>,
      %swap3A_855 = vector.shape_cast %swap3A_854 : vector<1x16xi32> to vector<16xi32>
      %swap3A_856 = vector.shape_cast %mul3A_850 : vector<16xi32> to vector<1x16xi32>
      tpu.vector_store %arg5[%swap3A_852, %swap3A_853], %swap3A_856 {strides = array<i32>} : memref<2x512xi32, #tpu.memory_space<vmem>>, vector<1x16xi32>,
      %get3A_857 = arith.constant 1 : i32
      %get3A_858 = arith.index_cast %get3A_857 : i32 to index
      %get3A_859 = arith.constant 336 : index
      %get3A_860 = tpu.vector_load %arg5[%get3A_858, %get3A_859] {strides = array<i32>} : memref<2x512xi32, #tpu.memory_space<vmem>>, vector<1x16xi32>,
      %get3A_861 = vector.shape_cast %get3A_860 : vector<1x16xi32> to vector<16xi32>
      %mul3A_862 = arith.constant 4 : i32
      %mul3A_863 = vector.broadcast %mul3A_862 : i32 to vector<16xi32>
      %mul3A_864 = arith.muli %get3A_861, %mul3A_863 : vector<16xi32>
      %swap3A_865 = arith.constant 1 : i32
      %swap3A_866 = arith.index_cast %swap3A_865 : i32 to index
      %swap3A_867 = arith.constant 336 : index
      %swap3A_868 = tpu.vector_load %arg5[%swap3A_866, %swap3A_867] {strides = array<i32>} : memref<2x512xi32, #tpu.memory_space<vmem>>, vector<1x16xi32>,
      %swap3A_869 = vector.shape_cast %swap3A_868 : vector<1x16xi32> to vector<16xi32>
      %swap3A_870 = vector.shape_cast %mul3A_864 : vector<16xi32> to vector<1x16xi32>
      tpu.vector_store %arg5[%swap3A_866, %swap3A_867], %swap3A_870 {strides = array<i32>} : memref<2x512xi32, #tpu.memory_space<vmem>>, vector<1x16xi32>,
      %get3A_871 = arith.constant 1 : i32
      %get3A_872 = arith.index_cast %get3A_871 : i32 to index
      %get3A_873 = arith.constant 352 : index
      %get3A_874 = tpu.vector_load %arg5[%get3A_872, %get3A_873] {strides = array<i32>} : memref<2x512xi32, #tpu.memory_space<vmem>>, vector<1x16xi32>,
      %get3A_875 = vector.shape_cast %get3A_874 : vector<1x16xi32> to vector<16xi32>
      %mul3A_876 = arith.constant 4 : i32
      %mul3A_877 = vector.broadcast %mul3A_876 : i32 to vector<16xi32>
      %mul3A_878 = arith.muli %get3A_875, %mul3A_877 : vector<16xi32>
      %swap3A_879 = arith.constant 1 : i32
      %swap3A_880 = arith.index_cast %swap3A_879 : i32 to index
      %swap3A_881 = arith.constant 352 : index
      %swap3A_882 = tpu.vector_load %arg5[%swap3A_880, %swap3A_881] {strides = array<i32>} : memref<2x512xi32, #tpu.memory_space<vmem>>, vector<1x16xi32>,
      %swap3A_883 = vector.shape_cast %swap3A_882 : vector<1x16xi32> to vector<16xi32>
      %swap3A_884 = vector.shape_cast %mul3A_878 : vector<16xi32> to vector<1x16xi32>
      tpu.vector_store %arg5[%swap3A_880, %swap3A_881], %swap3A_884 {strides = array<i32>} : memref<2x512xi32, #tpu.memory_space<vmem>>, vector<1x16xi32>,
      %get3A_885 = arith.constant 1 : i32
      %get3A_886 = arith.index_cast %get3A_885 : i32 to index
      %get3A_887 = arith.constant 368 : index
      %get3A_888 = tpu.vector_load %arg5[%get3A_886, %get3A_887] {strides = array<i32>} : memref<2x512xi32, #tpu.memory_space<vmem>>, vector<1x16xi32>,
      %get3A_889 = vector.shape_cast %get3A_888 : vector<1x16xi32> to vector<16xi32>
      %mul3A_890 = arith.constant 4 : i32
      %mul3A_891 = vector.broadcast %mul3A_890 : i32 to vector<16xi32>
      %mul3A_892 = arith.muli %get3A_889, %mul3A_891 : vector<16xi32>
      %swap3A_893 = arith.constant 1 : i32
      %swap3A_894 = arith.index_cast %swap3A_893 : i32 to index
      %swap3A_895 = arith.constant 368 : index
      %swap3A_896 = tpu.vector_load %arg5[%swap3A_894, %swap3A_895] {strides = array<i32>} : memref<2x512xi32, #tpu.memory_space<vmem>>, vector<1x16xi32>,
      %swap3A_897 = vector.shape_cast %swap3A_896 : vector<1x16xi32> to vector<16xi32>
      %swap3A_898 = vector.shape_cast %mul3A_892 : vector<16xi32> to vector<1x16xi32>
      tpu.vector_store %arg5[%swap3A_894, %swap3A_895], %swap3A_898 {strides = array<i32>} : memref<2x512xi32, #tpu.memory_space<vmem>>, vector<1x16xi32>,
      %get3A_899 = arith.constant 1 : i32
      %get3A_900 = arith.index_cast %get3A_899 : i32 to index
      %get3A_901 = arith.constant 384 : index
      %get3A_902 = tpu.vector_load %arg5[%get3A_900, %get3A_901] {strides = array<i32>} : memref<2x512xi32, #tpu.memory_space<vmem>>, vector<1x16xi32>,
      %get3A_903 = vector.shape_cast %get3A_902 : vector<1x16xi32> to vector<16xi32>
      %mul3A_904 = arith.constant 4 : i32
      %mul3A_905 = vector.broadcast %mul3A_904 : i32 to vector<16xi32>
      %mul3A_906 = arith.muli %get3A_903, %mul3A_905 : vector<16xi32>
      %swap3A_907 = arith.constant 1 : i32
      %swap3A_908 = arith.index_cast %swap3A_907 : i32 to index
      %swap3A_909 = arith.constant 384 : index
      %swap3A_910 = tpu.vector_load %arg5[%swap3A_908, %swap3A_909] {strides = array<i32>} : memref<2x512xi32, #tpu.memory_space<vmem>>, vector<1x16xi32>,
      %swap3A_911 = vector.shape_cast %swap3A_910 : vector<1x16xi32> to vector<16xi32>
      %swap3A_912 = vector.shape_cast %mul3A_906 : vector<16xi32> to vector<1x16xi32>
      tpu.vector_store %arg5[%swap3A_908, %swap3A_909], %swap3A_912 {strides = array<i32>} : memref<2x512xi32, #tpu.memory_space<vmem>>, vector<1x16xi32>,
      %get3A_913 = arith.constant 1 : i32
      %get3A_914 = arith.index_cast %get3A_913 : i32 to index
      %get3A_915 = arith.constant 400 : index
      %get3A_916 = tpu.vector_load %arg5[%get3A_914, %get3A_915] {strides = array<i32>} : memref<2x512xi32, #tpu.memory_space<vmem>>, vector<1x16xi32>,
      %get3A_917 = vector.shape_cast %get3A_916 : vector<1x16xi32> to vector<16xi32>
      %mul3A_918 = arith.constant 4 : i32
      %mul3A_919 = vector.broadcast %mul3A_918 : i32 to vector<16xi32>
      %mul3A_920 = arith.muli %get3A_917, %mul3A_919 : vector<16xi32>
      %swap3A_921 = arith.constant 1 : i32
      %swap3A_922 = arith.index_cast %swap3A_921 : i32 to index
      %swap3A_923 = arith.constant 400 : index
      %swap3A_924 = tpu.vector_load %arg5[%swap3A_922, %swap3A_923] {strides = array<i32>} : memref<2x512xi32, #tpu.memory_space<vmem>>, vector<1x16xi32>,
      %swap3A_925 = vector.shape_cast %swap3A_924 : vector<1x16xi32> to vector<16xi32>
      %swap3A_926 = vector.shape_cast %mul3A_920 : vector<16xi32> to vector<1x16xi32>
      tpu.vector_store %arg5[%swap3A_922, %swap3A_923], %swap3A_926 {strides = array<i32>} : memref<2x512xi32, #tpu.memory_space<vmem>>, vector<1x16xi32>,
      %get3A_927 = arith.constant 1 : i32
      %get3A_928 = arith.index_cast %get3A_927 : i32 to index
      %get3A_929 = arith.constant 416 : index
      %get3A_930 = tpu.vector_load %arg5[%get3A_928, %get3A_929] {strides = array<i32>} : memref<2x512xi32, #tpu.memory_space<vmem>>, vector<1x16xi32>,
      %get3A_931 = vector.shape_cast %get3A_930 : vector<1x16xi32> to vector<16xi32>
      %mul3A_932 = arith.constant 4 : i32
      %mul3A_933 = vector.broadcast %mul3A_932 : i32 to vector<16xi32>
      %mul3A_934 = arith.muli %get3A_931, %mul3A_933 : vector<16xi32>
      %swap3A_935 = arith.constant 1 : i32
      %swap3A_936 = arith.index_cast %swap3A_935 : i32 to index
      %swap3A_937 = arith.constant 416 : index
      %swap3A_938 = tpu.vector_load %arg5[%swap3A_936, %swap3A_937] {strides = array<i32>} : memref<2x512xi32, #tpu.memory_space<vmem>>, vector<1x16xi32>,
      %swap3A_939 = vector.shape_cast %swap3A_938 : vector<1x16xi32> to vector<16xi32>
      %swap3A_940 = vector.shape_cast %mul3A_934 : vector<16xi32> to vector<1x16xi32>
      tpu.vector_store %arg5[%swap3A_936, %swap3A_937], %swap3A_940 {strides = array<i32>} : memref<2x512xi32, #tpu.memory_space<vmem>>, vector<1x16xi32>,
      %get3A_941 = arith.constant 1 : i32
      %get3A_942 = arith.index_cast %get3A_941 : i32 to index
      %get3A_943 = arith.constant 432 : index
      %get3A_944 = tpu.vector_load %arg5[%get3A_942, %get3A_943] {strides = array<i32>} : memref<2x512xi32, #tpu.memory_space<vmem>>, vector<1x16xi32>,
      %get3A_945 = vector.shape_cast %get3A_944 : vector<1x16xi32> to vector<16xi32>
      %mul3A_946 = arith.constant 4 : i32
      %mul3A_947 = vector.broadcast %mul3A_946 : i32 to vector<16xi32>
      %mul3A_948 = arith.muli %get3A_945, %mul3A_947 : vector<16xi32>
      %swap3A_949 = arith.constant 1 : i32
      %swap3A_950 = arith.index_cast %swap3A_949 : i32 to index
      %swap3A_951 = arith.constant 432 : index
      %swap3A_952 = tpu.vector_load %arg5[%swap3A_950, %swap3A_951] {strides = array<i32>} : memref<2x512xi32, #tpu.memory_space<vmem>>, vector<1x16xi32>,
      %swap3A_953 = vector.shape_cast %swap3A_952 : vector<1x16xi32> to vector<16xi32>
      %swap3A_954 = vector.shape_cast %mul3A_948 : vector<16xi32> to vector<1x16xi32>
      tpu.vector_store %arg5[%swap3A_950, %swap3A_951], %swap3A_954 {strides = array<i32>} : memref<2x512xi32, #tpu.memory_space<vmem>>, vector<1x16xi32>,
      %get3A_955 = arith.constant 1 : i32
      %get3A_956 = arith.index_cast %get3A_955 : i32 to index
      %get3A_957 = arith.constant 448 : index
      %get3A_958 = tpu.vector_load %arg5[%get3A_956, %get3A_957] {strides = array<i32>} : memref<2x512xi32, #tpu.memory_space<vmem>>, vector<1x16xi32>,
      %get3A_959 = vector.shape_cast %get3A_958 : vector<1x16xi32> to vector<16xi32>
      %mul3A_960 = arith.constant 4 : i32
      %mul3A_961 = vector.broadcast %mul3A_960 : i32 to vector<16xi32>
      %mul3A_962 = arith.muli %get3A_959, %mul3A_961 : vector<16xi32>
      %swap3A_963 = arith.constant 1 : i32
      %swap3A_964 = arith.index_cast %swap3A_963 : i32 to index
      %swap3A_965 = arith.constant 448 : index
      %swap3A_966 = tpu.vector_load %arg5[%swap3A_964, %swap3A_965] {strides = array<i32>} : memref<2x512xi32, #tpu.memory_space<vmem>>, vector<1x16xi32>,
      %swap3A_967 = vector.shape_cast %swap3A_966 : vector<1x16xi32> to vector<16xi32>
      %swap3A_968 = vector.shape_cast %mul3A_962 : vector<16xi32> to vector<1x16xi32>
      tpu.vector_store %arg5[%swap3A_964, %swap3A_965], %swap3A_968 {strides = array<i32>} : memref<2x512xi32, #tpu.memory_space<vmem>>, vector<1x16xi32>,
      %get3A_969 = arith.constant 1 : i32
      %get3A_970 = arith.index_cast %get3A_969 : i32 to index
      %get3A_971 = arith.constant 464 : index
      %get3A_972 = tpu.vector_load %arg5[%get3A_970, %get3A_971] {strides = array<i32>} : memref<2x512xi32, #tpu.memory_space<vmem>>, vector<1x16xi32>,
      %get3A_973 = vector.shape_cast %get3A_972 : vector<1x16xi32> to vector<16xi32>
      %mul3A_974 = arith.constant 4 : i32
      %mul3A_975 = vector.broadcast %mul3A_974 : i32 to vector<16xi32>
      %mul3A_976 = arith.muli %get3A_973, %mul3A_975 : vector<16xi32>
      %swap3A_977 = arith.constant 1 : i32
      %swap3A_978 = arith.index_cast %swap3A_977 : i32 to index
      %swap3A_979 = arith.constant 464 : index
      %swap3A_980 = tpu.vector_load %arg5[%swap3A_978, %swap3A_979] {strides = array<i32>} : memref<2x512xi32, #tpu.memory_space<vmem>>, vector<1x16xi32>,
      %swap3A_981 = vector.shape_cast %swap3A_980 : vector<1x16xi32> to vector<16xi32>
      %swap3A_982 = vector.shape_cast %mul3A_976 : vector<16xi32> to vector<1x16xi32>
      tpu.vector_store %arg5[%swap3A_978, %swap3A_979], %swap3A_982 {strides = array<i32>} : memref<2x512xi32, #tpu.memory_space<vmem>>, vector<1x16xi32>,
      %get3A_983 = arith.constant 1 : i32
      %get3A_984 = arith.index_cast %get3A_983 : i32 to index
      %get3A_985 = arith.constant 480 : index
      %get3A_986 = tpu.vector_load %arg5[%get3A_984, %get3A_985] {strides = array<i32>} : memref<2x512xi32, #tpu.memory_space<vmem>>, vector<1x16xi32>,
      %get3A_987 = vector.shape_cast %get3A_986 : vector<1x16xi32> to vector<16xi32>
      %mul3A_988 = arith.constant 4 : i32
      %mul3A_989 = vector.broadcast %mul3A_988 : i32 to vector<16xi32>
      %mul3A_990 = arith.muli %get3A_987, %mul3A_989 : vector<16xi32>
      %swap3A_991 = arith.constant 1 : i32
      %swap3A_992 = arith.index_cast %swap3A_991 : i32 to index
      %swap3A_993 = arith.constant 480 : index
      %swap3A_994 = tpu.vector_load %arg5[%swap3A_992, %swap3A_993] {strides = array<i32>} : memref<2x512xi32, #tpu.memory_space<vmem>>, vector<1x16xi32>,
      %swap3A_995 = vector.shape_cast %swap3A_994 : vector<1x16xi32> to vector<16xi32>
      %swap3A_996 = vector.shape_cast %mul3A_990 : vector<16xi32> to vector<1x16xi32>
      tpu.vector_store %arg5[%swap3A_992, %swap3A_993], %swap3A_996 {strides = array<i32>} : memref<2x512xi32, #tpu.memory_space<vmem>>, vector<1x16xi32>,
      %get3A_997 = arith.constant 1 : i32
      %get3A_998 = arith.index_cast %get3A_997 : i32 to index
      %get3A_999 = arith.constant 496 : index
      %get3A_1000 = tpu.vector_load %arg5[%get3A_998, %get3A_999] {strides = array<i32>} : memref<2x512xi32, #tpu.memory_space<vmem>>, vector<1x16xi32>,
      %get3A_1001 = vector.shape_cast %get3A_1000 : vector<1x16xi32> to vector<16xi32>
      %mul3A_1002 = arith.constant 4 : i32
      %mul3A_1003 = vector.broadcast %mul3A_1002 : i32 to vector<16xi32>
      %mul3A_1004 = arith.muli %get3A_1001, %mul3A_1003 : vector<16xi32>
      %swap3A_1005 = arith.constant 1 : i32
      %swap3A_1006 = arith.index_cast %swap3A_1005 : i32 to index
      %swap3A_1007 = arith.constant 496 : index
      %swap3A_1008 = tpu.vector_load %arg5[%swap3A_1006, %swap3A_1007] {strides = array<i32>} : memref<2x512xi32, #tpu.memory_space<vmem>>, vector<1x16xi32>,
      %swap3A_1009 = vector.shape_cast %swap3A_1008 : vector<1x16xi32> to vector<16xi32>
      %swap3A_1010 = vector.shape_cast %mul3A_1004 : vector<16xi32> to vector<1x16xi32>
      tpu.vector_store %arg5[%swap3A_1006, %swap3A_1007], %swap3A_1010 {strides = array<i32>} : memref<2x512xi32, #tpu.memory_space<vmem>>, vector<1x16xi32>,
      %dma_start3A_1011 = arith.constant 1 : i32
      %dma_start3A_1012 = arith.constant 1 : i32
      %dma_start3A_1013 = arith.constant 1 : i32
      %dma_start3A_1014 = arith.constant 0 : i32
      %dma_start3A_1015 = arith.constant 0 : i32
      %dma_start3A_1016 = tpu.memref_slice %arg6[%dma_start3A_1012, %dma_start3A_1014, %dma_start3A_1015] : memref<2x512x32xf32, #tpu.memory_space<vmem>> -> memref<1x512x32xf32, #tpu.memory_space<vmem>>
      %dma_start3A_1017 = tpu.memref_squeeze %dma_start3A_1016 : memref<1x512x32xf32, #tpu.memory_space<vmem>> -> memref<512x32xf32, #tpu.memory_space<vmem>>
      %dma_start3A_1018 = arith.constant 0 : i32
      %dma_start3A_1019 = tpu.memref_slice %arg5[%dma_start3A_1011, %dma_start3A_1018] : memref<2x512xi32, #tpu.memory_space<vmem>> -> memref<1x512xi32, #tpu.memory_space<vmem>>
      %dma_start3A_1020 = tpu.memref_squeeze %dma_start3A_1019 : memref<1x512xi32, #tpu.memory_space<vmem>> -> memref<512xi32, #tpu.memory_space<vmem>>
      %dma_start3A_1021 = arith.constant 0 : i32
      %dma_start3A_1022 = arith.constant 0 : i32
      %dma_start3A_1023 = tpu.memref_slice %arg3[%dma_start3A_1021, %dma_start3A_1022] : memref<4000000x32xf32, #tpu.memory_space<hbm>> -> memref<4000000x32xf32, #tpu.memory_space<hbm>>
      %dma_start3A_1024 = tpu.memref_slice %arg9[%dma_start3A_1013] : memref<2x!tpu.dma_semaphore, #tpu.memory_space<semaphore_mem>> -> memref<1x!tpu.dma_semaphore, #tpu.memory_space<semaphore_mem>>
      %dma_start3A_1025 = tpu.memref_squeeze %dma_start3A_1024 : memref<1x!tpu.dma_semaphore, #tpu.memory_space<semaphore_mem>> -> memref<!tpu.dma_semaphore, #tpu.memory_space<semaphore_mem>>
      tpu.enqueue_indirect_dma source(%dma_start3A_1023 : memref<4000000x32xf32, #tpu.memory_space<hbm>>) target(%dma_start3A_1017 : memref<512x32xf32, #tpu.memory_space<vmem>>) offsets(%dma_start3A_1020 : memref<512xi32, #tpu.memory_space<vmem>>) semaphore(%dma_start3A_1025 : memref<!tpu.dma_semaphore, #tpu.memory_space<semaphore_mem>>)
      %dma_wait3A_1026 = arith.constant 0 : i32
      %dma_wait3A_1027 = arith.constant 0 : i32
      %dma_wait3A_1028 = arith.constant 0 : i32
      %dma_wait3A_1029 = arith.constant 0 : i32
      %dma_wait3A_1030 = arith.constant 0 : i32
      %dma_wait3A_1031 = tpu.memref_slice %arg6[%dma_wait3A_1027, %dma_wait3A_1029, %dma_wait3A_1030] : memref<2x512x32xf32, #tpu.memory_space<vmem>> -> memref<1x512x32xf32, #tpu.memory_space<vmem>>
      %dma_wait3A_1032 = tpu.memref_squeeze %dma_wait3A_1031 : memref<1x512x32xf32, #tpu.memory_space<vmem>> -> memref<512x32xf32, #tpu.memory_space<vmem>>
      %dma_wait3A_1033 = arith.constant 0 : i32
      %dma_wait3A_1034 = tpu.memref_slice %arg5[%dma_wait3A_1026, %dma_wait3A_1033] : memref<2x512xi32, #tpu.memory_space<vmem>> -> memref<1x512xi32, #tpu.memory_space<vmem>>
      %dma_wait3A_1035 = tpu.memref_squeeze %dma_wait3A_1034 : memref<1x512xi32, #tpu.memory_space<vmem>> -> memref<512xi32, #tpu.memory_space<vmem>>
      %dma_wait3A_1036 = arith.constant 0 : i32
      %dma_wait3A_1037 = arith.constant 0 : i32
      %dma_wait3A_1038 = tpu.memref_slice %arg3[%dma_wait3A_1036, %dma_wait3A_1037] : memref<4000000x32xf32, #tpu.memory_space<hbm>> -> memref<4000000x32xf32, #tpu.memory_space<hbm>>
      %dma_wait3A_1039 = tpu.memref_slice %arg9[%dma_wait3A_1028] : memref<2x!tpu.dma_semaphore, #tpu.memory_space<semaphore_mem>> -> memref<1x!tpu.dma_semaphore, #tpu.memory_space<semaphore_mem>>
      %dma_wait3A_1040 = tpu.memref_squeeze %dma_wait3A_1039 : memref<1x!tpu.dma_semaphore, #tpu.memory_space<semaphore_mem>> -> memref<!tpu.dma_semaphore, #tpu.memory_space<semaphore_mem>>
      tpu.wait_indirect_dma semaphore(%dma_wait3A_1040 : memref<!tpu.dma_semaphore, #tpu.memory_space<semaphore_mem>>) src(%dma_wait3A_1038 : memref<4000000x32xf32, #tpu.memory_space<hbm>>) dst(%dma_wait3A_1032 : memref<512x32xf32, #tpu.memory_space<vmem>>)
      %add3A_1041 = arith.constant 0 : i32
      %add3A_1042 = arith.addi %mul3A_33, %add3A_1041 : i32
      %mul3A_1043 = arith.constant 128 : i32
      %mul3A_1044 = arith.muli %mul3A_2, %mul3A_1043 : i32
      %dma_start3A_1045 = arith.constant 0 : i32
      %dma_start3A_1046 = arith.constant 0 : i32
      %dma_start3A_1047 = arith.constant 0 : i32
      %dma_start3A_1048 = arith.constant 0 : i32
      %dma_start3A_1049 = tpu.memref_slice %arg6[%dma_start3A_1045, %dma_start3A_1047, %dma_start3A_1048] : memref<2x512x32xf32, #tpu.memory_space<vmem>> -> memref<1x512x32xf32, #tpu.memory_space<vmem>>
      %dma_start3A_1050 = tpu.memref_squeeze %dma_start3A_1049 : memref<1x512x32xf32, #tpu.memory_space<vmem>> -> memref<512x32xf32, #tpu.memory_space<vmem>>
      %dma_start3A_1051 = arith.constant 0 : i32
      %dma_start3A_1052 = tpu.memref_slice %arg4[%add3A_1042, %mul3A_1044, %dma_start3A_1051] : memref<26x16384x32xf32, #tpu.memory_space<hbm>> -> memref<1x512x32xf32, #tpu.memory_space<hbm>>
      %dma_start3A_1053 = tpu.memref_squeeze %dma_start3A_1052 : memref<1x512x32xf32, #tpu.memory_space<hbm>> -> memref<512x32xf32, #tpu.memory_space<hbm>>
      %dma_start3A_1054 = tpu.memref_slice %arg10[%dma_start3A_1046] : memref<2x!tpu.dma_semaphore, #tpu.memory_space<semaphore_mem>> -> memref<1x!tpu.dma_semaphore, #tpu.memory_space<semaphore_mem>>
      %dma_start3A_1055 = tpu.memref_squeeze %dma_start3A_1054 : memref<1x!tpu.dma_semaphore, #tpu.memory_space<semaphore_mem>> -> memref<!tpu.dma_semaphore, #tpu.memory_space<semaphore_mem>>
      %dma_start3A_1056 = arith.constant 0 : i32
      %dma_start3A_1057 = tpu.memref_slice %arg4[%add3A_1042, %mul3A_1044, %dma_start3A_1056] : memref<26x16384x32xf32, #tpu.memory_space<hbm>> -> memref<1x512x32xf32, #tpu.memory_space<hbm>>
      %dma_start3A_1058 = tpu.memref_squeeze %dma_start3A_1057 : memref<1x512x32xf32, #tpu.memory_space<hbm>> -> memref<512x32xf32, #tpu.memory_space<hbm>>
      %dma_start3A_1059 = arith.constant 0 : i32
      %dma_start3A_1060 = arith.constant 0 : i32
      %dma_start3A_1061 = tpu.memref_slice %arg6[%dma_start3A_1045, %dma_start3A_1059, %dma_start3A_1060] : memref<2x512x32xf32, #tpu.memory_space<vmem>> -> memref<1x512x32xf32, #tpu.memory_space<vmem>>
      %dma_start3A_1062 = tpu.memref_squeeze %dma_start3A_1061 : memref<1x512x32xf32, #tpu.memory_space<vmem>> -> memref<512x32xf32, #tpu.memory_space<vmem>>
      tpu.enqueue_dma source(%dma_start3A_1062 : memref<512x32xf32, #tpu.memory_space<vmem>>) target(%dma_start3A_1058 : memref<512x32xf32, #tpu.memory_space<hbm>>) target_semaphore(%dma_start3A_1055 : memref<!tpu.dma_semaphore, #tpu.memory_space<semaphore_mem>>)
      %dma_wait3A_1063 = arith.constant 1 : i32
      %dma_wait3A_1064 = arith.constant 1 : i32
      %dma_wait3A_1065 = arith.constant 1 : i32
      %dma_wait3A_1066 = arith.constant 0 : i32
      %dma_wait3A_1067 = arith.constant 0 : i32
      %dma_wait3A_1068 = tpu.memref_slice %arg6[%dma_wait3A_1064, %dma_wait3A_1066, %dma_wait3A_1067] : memref<2x512x32xf32, #tpu.memory_space<vmem>> -> memref<1x512x32xf32, #tpu.memory_space<vmem>>
      %dma_wait3A_1069 = tpu.memref_squeeze %dma_wait3A_1068 : memref<1x512x32xf32, #tpu.memory_space<vmem>> -> memref<512x32xf32, #tpu.memory_space<vmem>>
      %dma_wait3A_1070 = arith.constant 0 : i32
      %dma_wait3A_1071 = tpu.memref_slice %arg5[%dma_wait3A_1063, %dma_wait3A_1070] : memref<2x512xi32, #tpu.memory_space<vmem>> -> memref<1x512xi32, #tpu.memory_space<vmem>>
      %dma_wait3A_1072 = tpu.memref_squeeze %dma_wait3A_1071 : memref<1x512xi32, #tpu.memory_space<vmem>> -> memref<512xi32, #tpu.memory_space<vmem>>
      %dma_wait3A_1073 = arith.constant 0 : i32
      %dma_wait3A_1074 = arith.constant 0 : i32
      %dma_wait3A_1075 = tpu.memref_slice %arg3[%dma_wait3A_1073, %dma_wait3A_1074] : memref<4000000x32xf32, #tpu.memory_space<hbm>> -> memref<4000000x32xf32, #tpu.memory_space<hbm>>
      %dma_wait3A_1076 = tpu.memref_slice %arg9[%dma_wait3A_1065] : memref<2x!tpu.dma_semaphore, #tpu.memory_space<semaphore_mem>> -> memref<1x!tpu.dma_semaphore, #tpu.memory_space<semaphore_mem>>
      %dma_wait3A_1077 = tpu.memref_squeeze %dma_wait3A_1076 : memref<1x!tpu.dma_semaphore, #tpu.memory_space<semaphore_mem>> -> memref<!tpu.dma_semaphore, #tpu.memory_space<semaphore_mem>>
      tpu.wait_indirect_dma semaphore(%dma_wait3A_1077 : memref<!tpu.dma_semaphore, #tpu.memory_space<semaphore_mem>>) src(%dma_wait3A_1075 : memref<4000000x32xf32, #tpu.memory_space<hbm>>) dst(%dma_wait3A_1069 : memref<512x32xf32, #tpu.memory_space<vmem>>)
      %add3A_1078 = arith.constant 1 : i32
      %add3A_1079 = arith.addi %mul3A_33, %add3A_1078 : i32
      %mul3A_1080 = arith.constant 128 : i32
      %mul3A_1081 = arith.muli %mul3A_2, %mul3A_1080 : i32
      %dma_start3A_1082 = arith.constant 1 : i32
      %dma_start3A_1083 = arith.constant 1 : i32
      %dma_start3A_1084 = arith.constant 0 : i32
      %dma_start3A_1085 = arith.constant 0 : i32
      %dma_start3A_1086 = tpu.memref_slice %arg6[%dma_start3A_1082, %dma_start3A_1084, %dma_start3A_1085] : memref<2x512x32xf32, #tpu.memory_space<vmem>> -> memref<1x512x32xf32, #tpu.memory_space<vmem>>
      %dma_start3A_1087 = tpu.memref_squeeze %dma_start3A_1086 : memref<1x512x32xf32, #tpu.memory_space<vmem>> -> memref<512x32xf32, #tpu.memory_space<vmem>>
      %dma_start3A_1088 = arith.constant 0 : i32
      %dma_start3A_1089 = tpu.memref_slice %arg4[%add3A_1079, %mul3A_1081, %dma_start3A_1088] : memref<26x16384x32xf32, #tpu.memory_space<hbm>> -> memref<1x512x32xf32, #tpu.memory_space<hbm>>
      %dma_start3A_1090 = tpu.memref_squeeze %dma_start3A_1089 : memref<1x512x32xf32, #tpu.memory_space<hbm>> -> memref<512x32xf32, #tpu.memory_space<hbm>>
      %dma_start3A_1091 = tpu.memref_slice %arg10[%dma_start3A_1083] : memref<2x!tpu.dma_semaphore, #tpu.memory_space<semaphore_mem>> -> memref<1x!tpu.dma_semaphore, #tpu.memory_space<semaphore_mem>>
      %dma_start3A_1092 = tpu.memref_squeeze %dma_start3A_1091 : memref<1x!tpu.dma_semaphore, #tpu.memory_space<semaphore_mem>> -> memref<!tpu.dma_semaphore, #tpu.memory_space<semaphore_mem>>
      %dma_start3A_1093 = arith.constant 0 : i32
      %dma_start3A_1094 = tpu.memref_slice %arg4[%add3A_1079, %mul3A_1081, %dma_start3A_1093] : memref<26x16384x32xf32, #tpu.memory_space<hbm>> -> memref<1x512x32xf32, #tpu.memory_space<hbm>>
      %dma_start3A_1095 = tpu.memref_squeeze %dma_start3A_1094 : memref<1x512x32xf32, #tpu.memory_space<hbm>> -> memref<512x32xf32, #tpu.memory_space<hbm>>
      %dma_start3A_1096 = arith.constant 0 : i32
      %dma_start3A_1097 = arith.constant 0 : i32
      %dma_start3A_1098 = tpu.memref_slice %arg6[%dma_start3A_1082, %dma_start3A_1096, %dma_start3A_1097] : memref<2x512x32xf32, #tpu.memory_space<vmem>> -> memref<1x512x32xf32, #tpu.memory_space<vmem>>
      %dma_start3A_1099 = tpu.memref_squeeze %dma_start3A_1098 : memref<1x512x32xf32, #tpu.memory_space<vmem>> -> memref<512x32xf32, #tpu.memory_space<vmem>>
      tpu.enqueue_dma source(%dma_start3A_1099 : memref<512x32xf32, #tpu.memory_space<vmem>>) target(%dma_start3A_1095 : memref<512x32xf32, #tpu.memory_space<hbm>>) target_semaphore(%dma_start3A_1092 : memref<!tpu.dma_semaphore, #tpu.memory_space<semaphore_mem>>)
    }
    %scan3A_7 = arith.constant 13 : i32
    %dma_wait3A = arith.constant 0 : i32
    %dma_wait3A_8 = arith.constant 0 : i32
    %dma_wait3A_9 = arith.constant 0 : i32
    %dma_wait3A_10 = arith.constant 0 : i32
    %dma_wait3A_11 = tpu.memref_slice %arg4[%dma_wait3A, %dma_wait3A_9, %dma_wait3A_10] : memref<26x16384x32xf32, #tpu.memory_space<hbm>> -> memref<1x512x32xf32, #tpu.memory_space<hbm>>
    %dma_wait3A_12 = tpu.memref_squeeze %dma_wait3A_11 : memref<1x512x32xf32, #tpu.memory_space<hbm>> -> memref<512x32xf32, #tpu.memory_space<hbm>>
    %dma_wait3A_13 = tpu.memref_slice %arg10[%dma_wait3A_8] : memref<2x!tpu.dma_semaphore, #tpu.memory_space<semaphore_mem>> -> memref<1x!tpu.dma_semaphore, #tpu.memory_space<semaphore_mem>>
    %dma_wait3A_14 = tpu.memref_squeeze %dma_wait3A_13 : memref<1x!tpu.dma_semaphore, #tpu.memory_space<semaphore_mem>> -> memref<!tpu.dma_semaphore, #tpu.memory_space<semaphore_mem>>
    %dma_wait3A_15 = arith.constant 0 : i32
    %dma_wait3A_16 = arith.constant 0 : i32
    %dma_wait3A_17 = tpu.memref_slice %arg4[%dma_wait3A, %dma_wait3A_15, %dma_wait3A_16] : memref<26x16384x32xf32, #tpu.memory_space<hbm>> -> memref<1x512x32xf32, #tpu.memory_space<hbm>>
    %dma_wait3A_18 = tpu.memref_squeeze %dma_wait3A_17 : memref<1x512x32xf32, #tpu.memory_space<hbm>> -> memref<512x32xf32, #tpu.memory_space<hbm>>
    tpu.wait_dma2 semaphore(%dma_wait3A_14 : memref<!tpu.dma_semaphore, #tpu.memory_space<semaphore_mem>>) src(%arg7 : memref<512x32xf32, #tpu.memory_space<vmem>>) dst(%dma_wait3A_18 : memref<512x32xf32, #tpu.memory_space<hbm>>)
    %dma_wait3A_19 = arith.constant 0 : i32
    %dma_wait3A_20 = arith.constant 1 : i32
    %dma_wait3A_21 = arith.constant 0 : i32
    %dma_wait3A_22 = arith.constant 0 : i32
    %dma_wait3A_23 = tpu.memref_slice %arg4[%dma_wait3A_19, %dma_wait3A_21, %dma_wait3A_22] : memref<26x16384x32xf32, #tpu.memory_space<hbm>> -> memref<1x512x32xf32, #tpu.memory_space<hbm>>
    %dma_wait3A_24 = tpu.memref_squeeze %dma_wait3A_23 : memref<1x512x32xf32, #tpu.memory_space<hbm>> -> memref<512x32xf32, #tpu.memory_space<hbm>>
    %dma_wait3A_25 = tpu.memref_slice %arg10[%dma_wait3A_20] : memref<2x!tpu.dma_semaphore, #tpu.memory_space<semaphore_mem>> -> memref<1x!tpu.dma_semaphore, #tpu.memory_space<semaphore_mem>>
    %dma_wait3A_26 = tpu.memref_squeeze %dma_wait3A_25 : memref<1x!tpu.dma_semaphore, #tpu.memory_space<semaphore_mem>> -> memref<!tpu.dma_semaphore, #tpu.memory_space<semaphore_mem>>
    %dma_wait3A_27 = arith.constant 0 : i32
    %dma_wait3A_28 = arith.constant 0 : i32
    %dma_wait3A_29 = tpu.memref_slice %arg4[%dma_wait3A_19, %dma_wait3A_27, %dma_wait3A_28] : memref<26x16384x32xf32, #tpu.memory_space<hbm>> -> memref<1x512x32xf32, #tpu.memory_space<hbm>>
    %dma_wait3A_30 = tpu.memref_squeeze %dma_wait3A_29 : memref<1x512x32xf32, #tpu.memory_space<hbm>> -> memref<512x32xf32, #tpu.memory_space<hbm>>
    tpu.wait_dma2 semaphore(%dma_wait3A_26 : memref<!tpu.dma_semaphore, #tpu.memory_space<semaphore_mem>>) src(%arg7 : memref<512x32xf32, #tpu.memory_space<vmem>>) dst(%dma_wait3A_30 : memref<512x32xf32, #tpu.memory_space<hbm>>)
    return
  }
}

</mosaic_0001>

<sc_bundles>
// kernel: kernel.3.cloned.1.call-start
scs
__scs_entry_jumppad:
0x0: {  	(pc) =	sbr.rel $0x88, $3  }
0x1: {  	(tag) =	ssettag $0x0;
	lr =	simm.s32 $0x1  }
0x2: {  	[smem:$0x3F9F] =	sst lr;
	_ =	strace $0xD0000000  }
0x3: {  	_ = 	snop  }
0x4: {  	_ = 	snop  }
0x5: {  	_ = 	snop  }
0x6: {  	_ = 	snop  }
0x7: {  	_ = 	snop  }
__scs_overlays_trampoline_lowered:
0x8: {  	[smem:$0x3FAE] =	sst s0  }
0x9: {  	[smem:$0x3FAF] =	sst s1  }
0xa: {  	[smem:$0x3FB0] =	sst s2  }
0xb: {  	[smem:$0x3FB1] =	sst s3  }
0xc: {  	[smem:$0x3FB2] =	sst s4  }
0xd: {  	[smem:$0x3FB3] =	sst s5  }
0xe: {  	[smem:$0x3FB4] =	sst s6  }
0xf: {  	[smem:$0x3FB5] =	sst s7  }
0x10: {  	[smem:$0x3FB6] =	sst s8  }
0x11: {  	[smem:$0x3FB7] =	sst s9;
	s0 =	simm.s32 @!p0 $0x0  }
0x12: {  	s1 =	sld [smem:$0x3F9D];
	s0 =	simm.s32 @p0 $0x1  }
0x13: {  	[smem:$0x3FB8] =	sst s0;
	s0 =	simm.s32 @!p1 $0x0  }
0x14: {  	s2 =	sld [smem:$0x3F9C];
	s0 =	simm.s32 @p1 $0x1  }
0x15: {  	[smem:$0x3FB9] =	sst s0;
	s0 =	simm.s32 @!p2 $0x0  }
0x16: {  	s3 =	sld [smem:$0x3FDB];
	s0 =	simm.s32 @p2 $0x1  }
0x17: {  	s4 =	simm.s32 $0x1BF5;
	[smem:$0x3FBB] =	sst s0  }
0x18: {  	s0 =	sld [smem:$0x3F9E];
	_ =	swait.ge [sflag:s4], $0x0  }
0x19: {  	s7 =	sld [smem:$0x3F9F]  }
0x1a: {  	s8 =	sadd.s32 $0xFFFFE003, lr  }
0x1b: {  	s9 =	sadd.s32 $0xFFFFFEF7, lr;
	s5 =	simm.s32 $0xFFFFFFFF;
	p2 =	slt.u32 s8, $0xFFFFF086  }
0x1c: {  	p1 =	slt.u32 s9, $0xF7A;
	s5 =	simm.s32 @!p2 $0x0  }
0x1d: {  	s5 =	simm.s32 @p1 $0x1;
	p0 =	seq.s32 s7, s2  }
0x1e: {  	s7 =	smul.u32 @!p0 $0xF7A, s2;
	p2 =	seq.s32 @!p0 s5, $0x0  }
0x1f: {  	s9 =	smul.u32 $0xF7A, s1;
	s8 =	simm.s32 @!p0 $0x1BF5;
	p2 =	por !p2, p0  }
0x20: {  	[sflag:s8] =	ssyncset.s32 @!p0 $0xFFFFF086;
	s6 =	sadd.s32 @!p0 s3, s7;
	s7 =	simm.s32 @!p0 $0x108  }
0x21: {  	s3 =	sadd.s32 s3, s9;
	s6 =	sadd.s32 @!p0 $0x88, s6;
	s7 =	simm.s32 @p2 $0x1082  }
0x22: {  	[simem:s7], [sflag:s8] =	dma.local @!p0 [hbm:s6], $0xF7A  }
0x23: {  	s9 =	sor.u32 $0xD0000000, s2;
	s6 =	simm.s32 $0x108;
	_ =	swait.ge @!p0 [sflag:s8], $0x0  }
0x24: {  	s3 =	sadd.s32 $0x88, s3;
	s6 =	simm.s32 @!p1 $0x1082;
	[sflag:s4] =	ssyncset.s32 $0xFFFFF086  }
0x25: {  	[simem:s6], [sflag:s4] =	dma.local [hbm:s3], $0xF7A  }
0x26: {  	[smem:$0x3F9F] =	sst s1;
	(tag) =	ssettag s2;
	_ =	strace s9  }
0x27: {  	s1 =	sld [smem:$0x3FAF]  }
0x28: {  	s2 =	sld [smem:$0x3FB0]  }
0x29: {  	s4 =	sld [smem:$0x3FB2]  }
0x2a: {  	p0 =	seq.s32 s5, $0x0;
	s5 =	sld [smem:$0x3FB3]  }
0x2b: {  	s6 =	sld [smem:$0x3FB4]  }
0x2c: {  	s7 =	sld [smem:$0x3FB5]  }
0x2d: {  	s3 =	simm.s32 $0x108;
	s8 =	sld [smem:$0x3FB6]  }
0x2e: {  	s3 =	simm.s32 @!p0 $0x1082;
	s9 =	sld [smem:$0x3FB7]  }
0x2f: {  	lr =	sadd.s32 s0, s3;
	s0 =	sld [smem:$0x3FAE]  }
0x30: {  	s3 =	sld [smem:$0x3FB1]  }
0x31: {  	[smem:$0x3FBA] =	sst s10  }
0x32: {  	s10 =	sld [smem:$0x3FB8];
	_ =	sdelay $0x3  }
0x33: {  	p0 =	seq.s32 s10, $0x1;
	s10 =	sld [smem:$0x3FBA];
	_ =	sdelay $0x3  }
0x34: {  	[smem:$0x3FBA] =	sst s10  }
0x35: {  	s10 =	sld [smem:$0x3FB9];
	_ =	sdelay $0x3  }
0x36: {  	p1 =	seq.s32 s10, $0x1;
	s10 =	sld [smem:$0x3FBA];
	_ =	sdelay $0x3  }
0x37: {  	[smem:$0x3FBA] =	sst s10  }
0x38: {  	s10 =	sld [smem:$0x3FBB]  }
0x39: {  	_ = 	snop;
	(pc) =	sbr.ind lr, $3  }
0x3a: {  	_ = 	snop  }
0x3b: {  	_ = 	snop  }
0x3c: {  	p2 =	seq.s32 s10, $0x1;
	s10 =	sld [smem:$0x3FBA]  }
0x3d: {  	_ =	shalt  }
0x3e: {  	_ =	shalt  }
0x3f: {  	_ =	shalt  }
0x40: {  	_ =	shalt  }
0x41: {  	_ =	shalt  }
0x42: {  	_ =	shalt  }
0x43: {  	_ =	shalt  }
0x44: {  	_ =	shalt  }
0x45: {  	_ =	shalt  }
0x46: {  	_ =	shalt  }
0x47: {  	_ =	shalt  }
0x48: {  	_ =	shalt  }
0x49: {  	_ =	shalt  }
0x4a: {  	_ =	shalt  }
0x4b: {  	_ =	shalt  }
0x4c: {  	_ =	shalt  }
0x4d: {  	_ =	shalt  }
0x4e: {  	_ =	shalt  }
0x4f: {  	_ =	shalt  }
0x50: {  	_ =	shalt  }
0x51: {  	_ =	shalt  }
0x52: {  	_ =	shalt  }
0x53: {  	_ =	shalt  }
0x54: {  	_ =	shalt  }
0x55: {  	_ =	shalt  }
0x56: {  	_ =	shalt  }
0x57: {  	_ =	shalt  }
0x58: {  	_ =	shalt  }
0x59: {  	_ =	shalt  }
0x5a: {  	_ =	shalt  }
0x5b: {  	_ =	shalt  }
0x5c: {  	_ =	shalt  }
0x5d: {  	_ =	shalt  }
0x5e: {  	_ =	shalt  }
0x5f: {  	_ =	shalt  }
0x60: {  	_ =	shalt  }
0x61: {  	_ =	shalt  }
0x62: {  	_ =	shalt  }
0x63: {  	_ =	shalt  }
0x64: {  	_ =	shalt  }
0x65: {  	_ =	shalt  }
0x66: {  	_ =	shalt  }
0x67: {  	_ =	shalt  }
0x68: {  	_ =	shalt  }
0x69: {  	_ =	shalt  }
0x6a: {  	_ =	shalt  }
0x6b: {  	_ =	shalt  }
0x6c: {  	_ =	shalt  }
0x6d: {  	_ =	shalt  }
0x6e: {  	_ =	shalt  }
0x6f: {  	_ =	shalt  }
0x70: {  	_ =	shalt  }
0x71: {  	_ =	shalt  }
0x72: {  	_ =	shalt  }
0x73: {  	_ =	shalt  }
0x74: {  	_ =	shalt  }
0x75: {  	_ =	shalt  }
0x76: {  	_ =	shalt  }
0x77: {  	_ =	shalt  }
0x78: {  	_ =	shalt  }
0x79: {  	_ =	shalt  }
0x7a: {  	_ =	shalt  }
0x7b: {  	_ =	shalt  }
0x7c: {  	_ =	shalt  }
0x7d: {  	_ =	shalt  }
0x7e: {  	_ =	shalt  }
0x7f: {  	_ =	shalt  }
0x80: {  	_ =	shalt  }
0x81: {  	_ =	shalt  }
0x82: {  	_ =	shalt  }
0x83: {  	_ =	shalt  }
0x84: {  	_ =	shalt  }
0x85: {  	_ =	shalt  }
0x86: {  	_ =	shalt  }
0x87: {  	_ =	shalt  }
.Lfunc_end0:
.L_simem_size_0:
called_computation.2_lowered:
.L_overlay_start_0:
0x88: {  	s2 =	sld [smem:$0x3FD9]  }
0x89: {  	s3 =	sld [smem:$0x3FFE];
	_ =	sdelay $0x1  }
0x8a: {  	s1 =	srdreg.scid  }
0x8b: {  	s0 =	sand.u32 $0x1, s1  }
0x8c: {  	s17 =	sshll.u32 s0, $0xA;
	s2 =	sadd.s32 s3, s2  }
0x8d: {  	s2 =	sadd.s32 s2, s17  }
0x8e: {  	[smem:$0x3FC6] =	sst s2  }
0x8f: {  	_ = 	snop  }
0x90: {  	s2 =	sld [smem:$0x3FD0];
	(tm) =	ssettm $0x1  }
0x91: {  	s18 =	sld [smem:$0x3FFB];
	_ =	sdelay $0x3  }
0x92: {  	_ =	strace s18  }
0x93: {  	s3 =	sld [smem:$0x3FFC];
	_ =	sdelay $0x3  }
0x94: {  	_ =	strace s3  }
0x95: {  	s3 =	sld [smem:$0x3FFD];
	_ =	sdelay $0x3  }
0x96: {  	_ =	strace s3  }
0x97: {  	_ =	strace $0x8FFFFFFF  }
0x98: {  	s19 =	sld [smem:$0x3FDB];
	_ =	sdelay $0x1  }
0x99: {  	s4 =	simm.s32 $_scs_section_size  }
0x9a: {  	s5 =	simm.s32 $_size__tile_overlayer_lowered;
	s6 =	simm.s32 $_tile_overlayer_lowered  }
0x9b: {  	s22 =	simm.s32 $0x1BFF;
	s21 =	sshll.u32 s6, $0x1;
	s3 =	sadd.s32 s4, s19  }
0x9c: {  	s7 =	simm.s32 $0x0;
	s20 =	sshll.u32 s5, $0x1;
	s5 =	sadd.s32 s21, s3  }
0x9d: {  	[timem:s7], [sflag:s22] =	dma.local [hbm:s5], s20  }
0x9e: {  	_ =	swait.ge [sflag:s22], s20  }
0x9f: {  	s4 =	ssub.s32 $0x0, s20;
	[sflag:s22] =	ssyncset.done $0x0  }
0xa0: {  	[sflag:s22] =	ssyncadd.s32 s4;
	_ =	sdelay $0x1  }
0xa1: {  	s23 =	simm.s32 $0x1B8B  }
0xa2: {  	_ =	swait.ge [sflag:s23], $0x1  }
0xa3: {  	[sflag:s23] =	ssyncset.done $0x0  }
0xa4: {  	s25 =	simm.s32 $0x1B8E;
	s24 =	sld [smem:$0x3FFE];
	[sflag:s23] =	ssyncadd.s32 $0xFFFFFFFF  }
0xa5: {  	s26 =	simm.s32 $execute0_lowered;
	[smem:$0x3FD2] =	sst s25  }
0xa6: {  	s5 =	sshll.u32 s26, $0x1;
	_ =	strace $0x80000049;
	[dreg:$0x1] =	wrdreg $0xFFFFFFFF  }
0xa7: {  	s28 =	simm.s32 $_size_execute0_lowered;
	s3 =	sadd.s32 s3, s5;
	[dreg:$0x0] =	wrdreg $0x0  }
0xa8: {  	s5 =	sshll.u32 s28, $0x1;
	[dreg:$0x2] =	wrdreg s3  }
0xa9: {  	[dreg:$0x3] =	wrdreg s5  }
0xaa: {  	[dreg:$0x4] =	wrdreg $0xC0  }
0xab: {  	_ =	task [dreg:s7], $0x5FFFF  }
0xac: {  	[dreg:$0x1] =	wrdreg $0xFFFFFFFF  }
0xad: {  	[dreg:$0x0] =	wrdreg $0x60  }
0xae: {  	[dreg:$0x2] =	wrdreg s24  }
0xaf: {  	[dreg:$0x3] =	wrdreg s2  }
0xb0: {  	[dreg:$0x4] =	wrdreg $0x9  }
0xb1: {  	_ =	task.clear_ibuf [dreg:s7], $0x5FFFF;
	_ =	strace $0x90000049  }
0xb2: {  	s29 =	simm.s32 $0x9;
	_ =	strace $0x8000004B  }
0xb3: {  	_ =	swait.ge [sflag:s29], $0x1  }
0xb4: {  	[sflag:s29] =	ssyncadd.s32 $0xFFFFFFFF  }
0xb5: {  	_ =	strace $0x9000004B  }
0xb6: {  	_ =	sfence  }
0xb7: {  	s30 =	sld [smem:$0x0];
	_ =	sdelay $0x2  }
0xb8: {  	s31 =	sshll.u32 s1, $0xD;
	s1 =	sshrl.u32 s1, $0x2  }
0xb9: {  	s3 =	sand.u32 $0x4000, s31;
	s1 =	sadd.s32 s1, s30  }
0xba: {  	s0 =	sor.u32 s3, s0;
	s1 =	sshll.u32 s1, $0x11  }
0xbb: {  	s0 =	sor.u32 s1, s0  }
0xbc: {  	s0 =	sadd.s32 $0x8F2B, s0  }
0xbd: {  	[sflag:s0] =	ssyncadd.remote.s32 $0x1  }
0xbe: {  	_ =	sfence.sel $0xFFFF  }
0xbf: {  	[dreg:$0x0] =	wrdreg $0xFFFFFFFF;
	(pc) =	sbr.abs _section_cstart, $3  }
0xc0: {  	[dreg:$0x1] =	wrdreg $0xFFFFFFFF  }
0xc1: {  	_ =	task.clear_ibuf [dreg:s7], $0x2FFFF;
	_ =	strace $0x9FFFFFFF  }
0xc2: {  	(tm) =	ssettm $0x7FFFFFFF  }
0xc3: {  	_ =	shalt  }
tec
execute0_lowered:
.L_overlay_start_1:
0x0: {  	(tag) =	ssettag $0x1  }
0x1: {  	s3 =	rddreg [dreg:$0x0]  }
0x2: {  	s7 =	rddreg [dreg:$0x1]  }
0x3: {  	s0 =	rddreg [dreg:$0x2];
	s1 =	simm.s32 $0x0;
	s2 =	srdreg.scid  }
0x4: {  	s12 =	simm.s32 $0x2;
	s13 =	simm.s32 $0x4400;
	s14 =	simm.s32 $0x3  }
0x5: {  	s15 =	simm.s32 $0x4;
	s16 =	simm.s32 $0x5;
	s17 =	simm.s32 $0x6  }
0x6: {  	s18 =	simm.s32 $0x0;
	[smem:$0x7FF] =	sst s1;
	s4 =	sand.u32 $0x1, s2  }
0x7: {  	s8 =	sadd.s32 $0xF43200, s3;
	s2 =	stileid.u32;
	s3 =	sadd.s32 $0xF50200, s3  }
0x8: {  	_ =	strace $0x8000004A;
	s5 =	ssub.s32 $0x2, s4;
	s9 =	sshll.u32 s2, $0xA  }
0x9: {  	s10 =	sshll.u32 s4, $0x9;
	s28 =	sshll.u32 s2, $0xF;
	s11 =	sshll.u32 s4, $0xE  }
0xa: {  	s6 =	sshrl.u32 s5, $0x1;
	s26 =	sor.u32 s10, s9;
	s29 =	sor.u32 s11, s28  }
0xb: {  	s11 =	simm.s32 $0x400;
	s5 =	ssub.s32 s5, s6;
	s9 =	sshrl.u32 s26, $0x3  }
0xc: {  	s10 =	sshrl.u32 s29, $0x3;
	s30 =	sor.u32 $0x4000, s26;
	s4 =	smax.u32 s5, $0x1  }
0xd: {  	s5 =	sadd.s32 s9, s8;
	s9 =	sor.u32 $0x80000, s29;
	s6 =	sadd.s32 s10, s7  }
0xe: {  	s31 =	sshrl.u32 s30, $0x3;
	s10 =	simm.s32 $0x1;
	s9 =	sshrl.u32 s9, $0x3  }
0xf: {  	s8 =	sadd.s32 s31, s8;
	s7 =	sadd.s32 s9, s7;
	s9 =	simm.s32 $0x200  }
.LBB2_1:
0x10: {  	s19 =	smov.u32 s7;
	s20 =	smov.u32 s6;
	s21 =	simm.s32 $0x0  }
.LBB2_2:
0x11: {  	p0 =	seq.s32 s21, $0x0  }
0x12: {  	s22 =	simm.s32 @p0 $0x0  }
0x13: {  	[tilespmem:s22], [sflag:$0x1] =	stream.linear.gather @p0 [hbm4b:s5+s22], $0x200, $0x38;
	[tilespmem:$0x8400] =	vst v63  }
0x14: {  	s22 =	simm.s32 @!p0 $0x5  }
0x15: {  	_ =	swait.ge @!p0 [sflag:s22], $0x4000  }
0x16: {  	[sflag:s22] =	ssyncset.done @!p0 $0x0  }
0x17: {  	s23 =	simm.s32 @!p0 $0x0;
	[sflag:s22] =	ssyncadd.s32 @!p0 $0xFFFFC000;
	s22 =	sadd.s32 @!p0 s21, s5  }
0x18: {  	[tilespmem:s23], [sflag:$0x1] =	stream.linear.gather @!p0 [hbm4b:s22+s23], $0x200, $0x38;
	[tilespmem:$0x8400] =	vst v63  }
0x19: {  	s22 =	simm.s32 @!p0 $0x6  }
0x1a: {  	_ =	swait.ge @!p0 [sflag:s22], $0x4000  }
0x1b: {  	[sflag:s22] =	ssyncset.done @!p0 $0x0  }
0x1c: {  	s31 =	sadd.s32 s21, s8;
	[sflag:s22] =	ssyncadd.s32 @!p0 $0xFFFFC000  }
0x1d: {  	[tilespmem:s9], [sflag:$0x2] =	stream.linear.gather [hbm4b:s31+s1], $0x200, $0x38;
	[tilespmem:$0x8400] =	vst v63  }
0x1e: {  	_ =	swait.ge [sflag:s10], $0x200  }
0x1f: {  	[sflag:s10] =	ssyncset.done $0x0  }
0x20: {  	[sflag:s10] =	ssyncadd.s32 $0xFFFFFE00  }
0x21: {  	v0 =	vld [tilespmem:$0x0]  }
0x22: {  	v1 =	vld [tilespmem:$0x10]  }
0x23: {  	v2 =	vld [tilespmem:$0x20]  }
0x24: {  	v3 =	vld [tilespmem:$0x30]  }
0x25: {  	v4 =	vld [tilespmem:$0x40]  }
0x26: {  	v5 =	vld [tilespmem:$0x50];
	v0 =	vshll.u32 v0, $0x2  }
0x27: {  	v58 =	vld [tilespmem:$0x60];
	v57 =	vshll.u32 v1, $0x2;
	[tilespmem:$0x0] =	vst v0  }
0x28: {  	v60 =	vld [tilespmem:$0x70];
	v59 =	vshll.u32 v2, $0x2;
	[tilespmem:$0x10] =	vst v57  }
0x29: {  	v62 =	vld [tilespmem:$0x80];
	v61 =	vshll.u32 v3, $0x2;
	[tilespmem:$0x20] =	vst v59  }
0x2a: {  	v8 =	vld [tilespmem:$0x90];
	v63 =	vshll.u32 v4, $0x2;
	[tilespmem:$0x30] =	vst v61  }
0x2b: {  	v10 =	vld [tilespmem:$0xA0];
	v9 =	vshll.u32 v5, $0x2;
	[tilespmem:$0x40] =	vst v63  }
0x2c: {  	v12 =	vld [tilespmem:$0xB0];
	v11 =	vshll.u32 v58, $0x2;
	[tilespmem:$0x50] =	vst v9  }
0x2d: {  	v14 =	vld [tilespmem:$0xC0];
	v13 =	vshll.u32 v60, $0x2;
	[tilespmem:$0x60] =	vst v11  }
0x2e: {  	v16 =	vld [tilespmem:$0xD0];
	v15 =	vshll.u32 v62, $0x2;
	[tilespmem:$0x70] =	vst v13  }
0x2f: {  	v18 =	vld [tilespmem:$0xE0];
	v17 =	vshll.u32 v8, $0x2;
	[tilespmem:$0x80] =	vst v15  }
0x30: {  	v20 =	vld [tilespmem:$0xF0];
	v19 =	vshll.u32 v10, $0x2;
	[tilespmem:$0x90] =	vst v17  }
0x31: {  	v22 =	vld [tilespmem:$0x100];
	v21 =	vshll.u32 v12, $0x2;
	[tilespmem:$0xA0] =	vst v19  }
0x32: {  	v24 =	vld [tilespmem:$0x110];
	v23 =	vshll.u32 v14, $0x2;
	[tilespmem:$0xB0] =	vst v21  }
0x33: {  	v26 =	vld [tilespmem:$0x120];
	v25 =	vshll.u32 v16, $0x2;
	[tilespmem:$0xC0] =	vst v23  }
0x34: {  	v28 =	vld [tilespmem:$0x130];
	v27 =	vshll.u32 v18, $0x2;
	[tilespmem:$0xD0] =	vst v25  }
0x35: {  	v30 =	vld [tilespmem:$0x140];
	v29 =	vshll.u32 v20, $0x2;
	[tilespmem:$0xE0] =	vst v27  }
0x36: {  	v32 =	vld [tilespmem:$0x150];
	v31 =	vshll.u32 v22, $0x2;
	[tilespmem:$0xF0] =	vst v29  }
0x37: {  	v34 =	vld [tilespmem:$0x160];
	v33 =	vshll.u32 v24, $0x2;
	[tilespmem:$0x100] =	vst v31  }
0x38: {  	v36 =	vld [tilespmem:$0x170];
	v35 =	vshll.u32 v26, $0x2;
	[tilespmem:$0x110] =	vst v33  }
0x39: {  	v38 =	vld [tilespmem:$0x180];
	v37 =	vshll.u32 v28, $0x2;
	[tilespmem:$0x120] =	vst v35  }
0x3a: {  	v40 =	vld [tilespmem:$0x190];
	v39 =	vshll.u32 v30, $0x2;
	[tilespmem:$0x130] =	vst v37  }
0x3b: {  	v42 =	vld [tilespmem:$0x1A0];
	v41 =	vshll.u32 v32, $0x2;
	[tilespmem:$0x140] =	vst v39  }
0x3c: {  	v44 =	vld [tilespmem:$0x1B0];
	v43 =	vshll.u32 v34, $0x2;
	[tilespmem:$0x150] =	vst v41  }
0x3d: {  	v46 =	vld [tilespmem:$0x1C0];
	v45 =	vshll.u32 v36, $0x2;
	[tilespmem:$0x160] =	vst v43  }
0x3e: {  	v48 =	vld [tilespmem:$0x1D0];
	v47 =	vshll.u32 v38, $0x2;
	[tilespmem:$0x170] =	vst v45  }
0x3f: {  	v50 =	vld [tilespmem:$0x1E0];
	v49 =	vshll.u32 v40, $0x2;
	[tilespmem:$0x180] =	vst v47  }
0x40: {  	v52 =	vld [tilespmem:$0x1F0];
	v51 =	vshll.u32 v42, $0x2;
	[tilespmem:$0x190] =	vst v49  }
0x41: {  	v53 =	vshll.u32 v44, $0x2;
	[tilespmem:$0x1A0] =	vst v51  }
0x42: {  	v54 =	vshll.u32 v46, $0x2;
	[tilespmem:$0x1B0] =	vst v53  }
0x43: {  	v55 =	vshll.u32 v48, $0x2;
	[tilespmem:$0x1C0] =	vst v54  }
0x44: {  	v56 =	vshll.u32 v50, $0x2;
	[tilespmem:$0x1D0] =	vst v55  }
0x45: {  	[tilespmem:$0x1E0] =	vst v56;
	v57 =	vshll.u32 v52, $0x2  }
0x46: {  	[tilespmem:$0x1F0] =	vst v57  }
0x47: {  	[tilespmem:s11], [sflag:$0x3] =	stream.indirect.gather [hbm4b:s3+s9], $0x20, s1, s9, $0xb8;
	[tilespmem:$0x8400] =	vst v63  }
0x48: {  	_ =	swait.ge [sflag:s12], $0x200  }
0x49: {  	[sflag:s12] =	ssyncset.done $0x0  }
0x4a: {  	[sflag:s12] =	ssyncadd.s32 $0xFFFFFE00  }
0x4b: {  	v58 =	vld [tilespmem:$0x200]  }
0x4c: {  	v59 =	vld [tilespmem:$0x210]  }
0x4d: {  	v60 =	vld [tilespmem:$0x220]  }
0x4e: {  	v61 =	vld [tilespmem:$0x230]  }
0x4f: {  	v62 =	vld [tilespmem:$0x240]  }
0x50: {  	v63 =	vld [tilespmem:$0x250];
	v0 =	vshll.u32 v58, $0x2  }
0x51: {  	v8 =	vld [tilespmem:$0x260];
	v7 =	vshll.u32 v59, $0x2;
	[tilespmem:$0x200] =	vst v0  }
0x52: {  	v10 =	vld [tilespmem:$0x270];
	v9 =	vshll.u32 v60, $0x2;
	[tilespmem:$0x210] =	vst v7  }
0x53: {  	v12 =	vld [tilespmem:$0x280];
	v11 =	vshll.u32 v61, $0x2;
	[tilespmem:$0x220] =	vst v9  }
0x54: {  	v14 =	vld [tilespmem:$0x290];
	v13 =	vshll.u32 v62, $0x2;
	[tilespmem:$0x230] =	vst v11  }
0x55: {  	v16 =	vld [tilespmem:$0x2A0];
	v15 =	vshll.u32 v63, $0x2;
	[tilespmem:$0x240] =	vst v13  }
0x56: {  	v18 =	vld [tilespmem:$0x2B0];
	v17 =	vshll.u32 v8, $0x2;
	[tilespmem:$0x250] =	vst v15  }
0x57: {  	v20 =	vld [tilespmem:$0x2C0];
	v19 =	vshll.u32 v10, $0x2;
	[tilespmem:$0x260] =	vst v17  }
0x58: {  	v22 =	vld [tilespmem:$0x2D0];
	v21 =	vshll.u32 v12, $0x2;
	[tilespmem:$0x270] =	vst v19  }
0x59: {  	v24 =	vld [tilespmem:$0x2E0];
	v23 =	vshll.u32 v14, $0x2;
	[tilespmem:$0x280] =	vst v21  }
0x5a: {  	v26 =	vld [tilespmem:$0x2F0];
	v25 =	vshll.u32 v16, $0x2;
	[tilespmem:$0x290] =	vst v23  }
0x5b: {  	v28 =	vld [tilespmem:$0x300];
	v27 =	vshll.u32 v18, $0x2;
	[tilespmem:$0x2A0] =	vst v25  }
0x5c: {  	v30 =	vld [tilespmem:$0x310];
	v29 =	vshll.u32 v20, $0x2;
	[tilespmem:$0x2B0] =	vst v27  }
0x5d: {  	v32 =	vld [tilespmem:$0x320];
	v31 =	vshll.u32 v22, $0x2;
	[tilespmem:$0x2C0] =	vst v29  }
0x5e: {  	v34 =	vld [tilespmem:$0x330];
	v33 =	vshll.u32 v24, $0x2;
	[tilespmem:$0x2D0] =	vst v31  }
0x5f: {  	v36 =	vld [tilespmem:$0x340];
	v35 =	vshll.u32 v26, $0x2;
	[tilespmem:$0x2E0] =	vst v33  }
0x60: {  	v38 =	vld [tilespmem:$0x350];
	v37 =	vshll.u32 v28, $0x2;
	[tilespmem:$0x2F0] =	vst v35  }
0x61: {  	v40 =	vld [tilespmem:$0x360];
	v39 =	vshll.u32 v30, $0x2;
	[tilespmem:$0x300] =	vst v37  }
0x62: {  	v42 =	vld [tilespmem:$0x370];
	v41 =	vshll.u32 v32, $0x2;
	[tilespmem:$0x310] =	vst v39  }
0x63: {  	v44 =	vld [tilespmem:$0x380];
	v43 =	vshll.u32 v34, $0x2;
	[tilespmem:$0x320] =	vst v41  }
0x64: {  	v46 =	vld [tilespmem:$0x390];
	v45 =	vshll.u32 v36, $0x2;
	[tilespmem:$0x330] =	vst v43  }
0x65: {  	v48 =	vld [tilespmem:$0x3A0];
	v47 =	vshll.u32 v38, $0x2;
	[tilespmem:$0x340] =	vst v45  }
0x66: {  	v50 =	vld [tilespmem:$0x3B0];
	v49 =	vshll.u32 v40, $0x2;
	[tilespmem:$0x350] =	vst v47  }
0x67: {  	v52 =	vld [tilespmem:$0x3C0];
	v51 =	vshll.u32 v42, $0x2;
	[tilespmem:$0x360] =	vst v49  }
0x68: {  	v54 =	vld [tilespmem:$0x3D0];
	v53 =	vshll.u32 v44, $0x2;
	[tilespmem:$0x370] =	vst v51  }
0x69: {  	v56 =	vld [tilespmem:$0x3E0];
	v55 =	vshll.u32 v46, $0x2;
	[tilespmem:$0x380] =	vst v53  }
0x6a: {  	v57 =	vshll.u32 v48, $0x2;
	v58 =	vld [tilespmem:$0x3F0];
	[tilespmem:$0x390] =	vst v55  }
0x6b: {  	v59 =	vshll.u32 v50, $0x2;
	[tilespmem:$0x3A0] =	vst v57  }
0x6c: {  	v60 =	vshll.u32 v52, $0x2;
	[tilespmem:$0x3B0] =	vst v59  }
0x6d: {  	v61 =	vshll.u32 v54, $0x2;
	[tilespmem:$0x3C0] =	vst v60  }
0x6e: {  	v62 =	vshll.u32 v56, $0x2;
	[tilespmem:$0x3D0] =	vst v61  }
0x6f: {  	[tilespmem:$0x3E0] =	vst v62;
	v63 =	vshll.u32 v58, $0x2  }
0x70: {  	[tilespmem:$0x3F0] =	vst v63  }
0x71: {  	[tilespmem:s13], [sflag:$0x4] =	stream.indirect.gather [hbm4b:s3+s9], $0x20, s9, s9, $0xb8;
	[tilespmem:$0x8400] =	vst v63  }
0x72: {  	_ =	swait.ge [sflag:s14], $0x4000  }
0x73: {  	s21 =	sadd.s32 $0x1000, s21;
	[sflag:s14] =	ssyncset.done $0x0  }
0x74: {  	p0 =	sne.s32 s21, $0xD000;
	[sflag:s14] =	ssyncadd.s32 $0xFFFFC000  }
0x75: {  	[hbm4b:s20+s1] =	stream.linear.scatter [tilespmem:s11], [sflag:$0x5], $0x4000, $0x38;
	[tilespmem:$0x8400] =	vst v63  }
.Ltmp0:
0x76: {  	_ =	swait.ge [sflag:s15], $0x4000;
	(pc) =	sbr.rel @p0 .LBB2_2-.Ltmp0, $4  }
0x77: {  	[sflag:s15] =	ssyncset.done $0x0  }
0x78: {  	[sflag:s15] =	ssyncadd.s32 $0xFFFFC000  }
0x79: {  	[hbm4b:s19+s1] =	stream.linear.scatter [tilespmem:s13], [sflag:$0x6], $0x4000, $0x38;
	[tilespmem:$0x8400] =	vst v63  }
0x7a: {  	s20 =	sadd.s32 $0x20000, s20;
	s19 =	sadd.s32 $0x20000, s19  }
0x7b: {  	s18 =	sadd.s32 $0x1, s18  }
0x7c: {  	_ =	swait.ge [sflag:s16], $0x4000;
	p0 =	sne.s32 s18, s4  }
.Ltmp1:
0x7d: {  	[sflag:s16] =	ssyncset.done $0x0;
	(pc) =	sbr.rel @p0 .LBB2_1-.Ltmp1, $4  }
0x7e: {  	[sflag:s16] =	ssyncadd.s32 $0xFFFFC000  }
0x7f: {  	_ =	swait.ge [sflag:s17], $0x4000  }
0x80: {  	[sflag:s17] =	ssyncset.done $0x0  }
0x81: {  	[sflag:s17] =	ssyncadd.s32 $0xFFFFC000  }
0x82: {  	_ =	sfence.sel $0x180000  }
0x83: {  	[bflag:$0x0] =	sbarrier.arrive $0xFFFF  }
0x84: {  	p0 =	sne.s32 s2, $0x0;
	_ =	strace $0x9000004A  }
0x85: {  	s0 =	sadd.s32 @!p0 $0x100000, s0;
	[bflag:$0x2] =	sbarrier.arrive $0xFFFF  }
0x86: {  	[sflag:s0] =	ssyncadd.tile.s32 @!p0 $0x1;
	_ =	shalt  }
.Lfunc_end2:
_tile_overlayer_lowered:
.L_overlay_start_2:
0x87: {  	(tag) =	ssettag $0x2  }
0x88: {  	s0 =	rddreg [dreg:$0x0];
	s2 =	stileid.u32  }
0x89: {  	s1 =	rddreg [dreg:$0x1];
	p0 =	sne.s32 s2, $0x0  }
0x8a: {  	s3 =	rddreg [dreg:$0x2];
	[bflag:$0x3] =	sbarrier.arrive $0xFFFF;
	s2 =	simm.s32 @!p0 $0x1C07  }
0x8b: {  	[timem:s3], [sflag:s2] =	dma.local @!p0 [hbm:s0], s1  }
0x8c: {  	s0 =	simm.s32 @!p0 $0x7  }
0x8d: {  	_ =	swait.ge @!p0 [sflag:s0], s1  }
0x8e: {  	s1 =	ssub.s32 @!p0 $0x0, s1;
	[sflag:s0] =	ssyncset.done @!p0 $0x0  }
0x8f: {  	[sflag:s0] =	ssyncadd.s32 @!p0 s1  }
0x90: {  	[bflag:$0x3] =	sbarrier.arrive $0xFFFF  }
0x91: {  	_ =	shalt  }

// kernel: sparse-core-data-format-call.1.cloned.1.call-start
scs
called_computation.1_lowered:
.L_overlay_start_0:
0x0: {  	s2 =	sld [smem:$0x3FD9]  }
0x1: {  	s3 =	sld [smem:$0x3FFE];
	_ =	sdelay $0x1  }
0x2: {  	s1 =	srdreg.scid  }
0x3: {  	s0 =	sand.u32 $0x1, s1  }
0x4: {  	s18 =	sshll.u32 s0, $0xA;
	s2 =	sadd.s32 s3, s2  }
0x5: {  	s2 =	sadd.s32 s2, s18  }
0x6: {  	[smem:$0x3FC6] =	sst s2  }
0x7: {  	_ = 	snop  }
0x8: {  	s2 =	sld [smem:$0x3FC8];
	(tm) =	ssettm $0x1  }
0x9: {  	s19 =	sld [smem:$0x3FFB];
	_ =	sdelay $0x3  }
0xa: {  	_ =	strace s19  }
0xb: {  	s3 =	sld [smem:$0x3FFC];
	_ =	sdelay $0x3  }
0xc: {  	_ =	strace s3  }
0xd: {  	s3 =	sld [smem:$0x3FFD];
	_ =	sdelay $0x3  }
0xe: {  	_ =	strace s3  }
0xf: {  	_ =	strace $0x8FFFFFFF  }
0x10: {  	s20 =	sld [smem:$0x3FDB];
	_ =	sdelay $0x1  }
0x11: {  	s4 =	simm.s32 $_scs_section_size  }
0x12: {  	s5 =	simm.s32 $_size__tile_overlayer_lowered;
	s6 =	simm.s32 $_tile_overlayer_lowered  }
0x13: {  	s23 =	simm.s32 $0x1BFF;
	s22 =	sshll.u32 s6, $0x1;
	s3 =	sadd.s32 s4, s20  }
0x14: {  	s7 =	simm.s32 $0x0;
	s21 =	sshll.u32 s5, $0x1;
	s5 =	sadd.s32 s22, s3  }
0x15: {  	[timem:s7], [sflag:s23] =	dma.local [hbm:s5], s21  }
0x16: {  	_ =	swait.ge [sflag:s23], s21  }
0x17: {  	s4 =	ssub.s32 $0x0, s21;
	[sflag:s23] =	ssyncset.done $0x0  }
0x18: {  	[sflag:s23] =	ssyncadd.s32 s4;
	_ =	sdelay $0x1  }
0x19: {  	s24 =	simm.s32 $0x1B8B  }
0x1a: {  	_ =	swait.ge [sflag:s24], $0x1  }
0x1b: {  	[sflag:s24] =	ssyncset.done $0x0  }
0x1c: {  	s26 =	simm.s32 $0x1B8E;
	s25 =	sld [smem:$0x3FFE];
	[sflag:s24] =	ssyncadd.s32 $0xFFFFFFFF  }
0x1d: {  	s27 =	simm.s32 $execute0_lowered;
	[smem:$0x3FD2] =	sst s26  }
0x1e: {  	s5 =	sshll.u32 s27, $0x1;
	_ =	strace $0x80000046;
	[dreg:$0x1] =	wrdreg $0xFFFFFFFF  }
0x1f: {  	s28 =	simm.s32 $_size_execute0_lowered;
	s3 =	sadd.s32 s3, s5;
	[dreg:$0x0] =	wrdreg $0x0  }
0x20: {  	s5 =	sshll.u32 s28, $0x1;
	[dreg:$0x2] =	wrdreg s3  }
0x21: {  	[dreg:$0x3] =	wrdreg s5  }
0x22: {  	[dreg:$0x4] =	wrdreg $0xC0  }
0x23: {  	_ =	task [dreg:s7], $0x5FFFF  }
0x24: {  	[dreg:$0x1] =	wrdreg $0xFFFFFFFF  }
0x25: {  	[dreg:$0x0] =	wrdreg $0x60  }
0x26: {  	[dreg:$0x2] =	wrdreg s2  }
0x27: {  	[dreg:$0x3] =	wrdreg s25  }
0x28: {  	[dreg:$0x4] =	wrdreg $0x9  }
0x29: {  	_ =	task.clear_ibuf [dreg:s7], $0x5FFFF;
	_ =	strace $0x90000046  }
0x2a: {  	s29 =	simm.s32 $0x9;
	_ =	strace $0x80000048  }
0x2b: {  	_ =	swait.ge [sflag:s29], $0x1  }
0x2c: {  	[sflag:s29] =	ssyncadd.s32 $0xFFFFFFFF  }
0x2d: {  	_ =	strace $0x90000048  }
0x2e: {  	_ =	sfence  }
0x2f: {  	s30 =	sld [smem:$0x0];
	_ =	sdelay $0x2  }
0x30: {  	s31 =	sshll.u32 s1, $0xD;
	s1 =	sshrl.u32 s1, $0x2  }
0x31: {  	s3 =	sand.u32 $0x4000, s31;
	s1 =	sadd.s32 s1, s30  }
0x32: {  	s0 =	sor.u32 s3, s0;
	s1 =	sshll.u32 s1, $0x11  }
0x33: {  	s0 =	sor.u32 s1, s0  }
0x34: {  	s0 =	sadd.s32 $0x8F2B, s0  }
0x35: {  	[sflag:s0] =	ssyncadd.remote.s32 $0x1  }
0x36: {  	_ =	sfence.sel $0xFFFF  }
0x37: {  	[dreg:$0x0] =	wrdreg $0xFFFFFFFF;
	(pc) =	sbr.abs _section_cstart, $3  }
0x38: {  	[dreg:$0x1] =	wrdreg $0xFFFFFFFF  }
0x39: {  	_ =	task.clear_ibuf [dreg:s7], $0x2FFFF;
	_ =	strace $0x9FFFFFFF  }
0x3a: {  	(tm) =	ssettm $0x7FFFFFFF  }
0x3b: {  	_ =	shalt  }
tec
execute0_lowered:
.L_overlay_start_1:
0x0: {  	(tag) =	ssettag $0x1  }
0x1: {  	s0 =	srdreg.scid;
	s2 =	rddreg [dreg:$0x0]  }
0x2: {  	s5 =	rddreg [dreg:$0x1];
	s1 =	stileid.u32  }
0x3: {  	s4 =	simm.s32 $0x1;
	s6 =	simm.s32 $0x2;
	s15 =	simm.s32 $0x0  }
0x4: {  	p0 =	por $0x0, $0x0;
	s8 =	simm.s32 $0x80;
	s0 =	sshll.u32 s0, $0x4  }
0x5: {  	s14 =	simm.s32 $0x0;
	s9 =	simm.s32 $0x0;
	s3 =	sand.u32 $0x10, s0  }
.Ltmp0:
0x6: {  	s10 =	simm.s32 $0x0;
	s3 =	sor.u32 s1, s3;
	(pc) =	sbr.rel .LBB1_1-.Ltmp0, $4  }
0x7: {  	s0 =	rddreg [dreg:$0x2];
	_ =	strace $0x80000047;
	s3 =	sshll.u32 s3, $0x7  }
0x8: {  	s12 =	simm.s32 $0x0;
	[sflag:s4] =	ssyncpa.u1 $0x0;
	s7 =	ssub.s32 $0xF4200, s3  }
0x9: {  	s13 =	simm.s32 $0x0;
	[sflag:s6] =	ssyncpa.u1 $0x0;
	s6 =	sshrl.u32 s7, $0xC  }
0xa: {  	s5 =	sadd.s32 $0xE00, s5;
	s11 =	smov.u32 s3;
	s7 =	sadd.s32 $0x2, s6  }
.LBB1_5:
0xb: {  	p1 =	slt.u32 s13, $0x2  }
0xc: {  	s17 =	smov.u32 s15;
	p2 =	sgt.s32 @!p1 s15, $0xF41C0;
	s16 =	sshra.s32 @!p1 s15, $0x1F  }
0xd: {  	p3 =	sgt.s32 @!p1 s14, $0x60;
	s18 =	sshra.s32 @!p1 s14, $0x1F;
	p2 =	por !p2, p1  }
0xe: {  	s15 =	sand.u32 @!p1 s16, s15;
	p3 =	por !p3, p1;
	s16 =	smov.u32 s14  }
0xf: {  	s14 =	sand.u32 @!p1 s18, s14;
	s17 =	simm.s32 @p2 $0xF41C0;
	s16 =	simm.s32 @p3 $0x60  }
0x10: {  	s15 =	ssub.s32 @!p1 s17, s15;
	s14 =	ssub.s32 @!p1 s16, s14  }
0x11: {  	s18 =	smov.u32 s12;
	s16 =	sadd.s32 @!p1 $0xFFF0BE40, s15;
	s17 =	sadd.s32 @!p1 $0xFFFFFFA0, s14  }
0x12: {  	s15 =	ssub.s32 @!p1 $0xF4240, s15;
	p2 =	sgt.s32 @!p1 s16, $0x7F;
	p3 =	sgt.s32 @!p1 s17, $0x1F  }
0x13: {  	s14 =	ssub.s32 @!p1 $0x80, s14;
	p2 =	por !p2, p1;
	p3 =	por !p3, p1  }
0x14: {  	s16 =	sadd.s32 $0x1000, s11;
	s15 =	simm.s32 @!p2 $0x0;
	s14 =	simm.s32 @!p3 $0x0  }
0x15: {  	p2 =	sgt.s32 s16, $0xF423F;
	s14 =	smul.u32 @!p1 s14, s15;
	s15 =	sadd.s32 $0x20, s12  }
0x16: {  	s18 =	smov.u32 @p2 s15  }
0x17: {  	s16 =	smov.u32 @p2 s3;
	p2 =	sgt.s32 s18, $0x1F  }
0x18: {  	s18 =	simm.s32 @p2 $0x0;
	p2 =	sne.s32 s13, s7  }
.Ltmp1:
0x19: {  	p0 =	por !p0, !p0;
	s17 =	simm.s32 @!p1 $0x2;
	(pc) =	sbr.rel @!p2 .LBB1_6-.Ltmp1, $4  }
0x1a: {  	s15 =	smov.u32 s9;
	s9 =	smov.u32 s11;
	s14 =	sand.u32 @!p1 $0x3FFFFFFF, s14  }
0x1b: {  	s11 =	smov.u32 s16;
	_ =	swait.ge @!p1 [sflag:s17], s14;
	s19 =	ssub.s32 @!p1 $0x0, s14  }
0x1c: {  	s14 =	smov.u32 s10;
	s13 =	sadd.s32 $0x1, s13;
	[sflag:s17] =	ssyncset.done @!p1 $0x0  }
0x1d: {  	s10 =	smov.u32 s12;
	s12 =	smov.u32 s18;
	[sflag:s17] =	ssyncadd.s32 @!p1 s19  }
.LBB1_1:
0x1e: {  	p1 =	sgt.u32 s13, s6  }
0x1f: {  	s16 =	sshrl.u32 @!p1 s12, $0x3  }
0x20: {  	s17 =	sshll.u32 @!p1 s11, $0x3;
	s16 =	smul.u32 @!p1 $0x7A1400, s16  }
0x21: {  	s18 =	sshll.u32 @!p1 s12, $0x7;
	s17 =	sand.u32 @!p1 $0xFFFFFC00, s17  }
0x22: {  	s16 =	sadd.s32 @!p1 s16, s17;
	s17 =	sand.u32 @!p1 $0x380, s18  }
0x23: {  	s18 =	sand.u32 @!p1 $0x7F, s11;
	s16 =	sor.u32 @!p1 s17, s16  }
0x24: {  	s17 =	sor.u32 @!p1 s18, s16  }
0x25: {  	s18 =	smulhi.u32 @!p1 $0x218D6287, s17;
	_ =	sdelay $0x1  }
0x26: {  	s16 =	smulhi.u32 @!p1 $0x218D6287, s16;
	s18 =	sshrl.u32 @!p1 s18, $0x11  }
0x27: {  	s18 =	smul.u32 @!p1 $0xF4280, s18  }
0x28: {  	s19 =	sxor.u32 @!p1 $0xFFFFFFFF, s13;
	s16 =	sshrl.u32 @!p1 s16, $0x11  }
0x29: {  	s19 =	sshll.u32 @!p1 s19, $0xC;
	s16 =	sand.u32 @!p1 $0x1F, s16;
	s17 =	ssub.s32 @!p1 s17, s18  }
0x2a: {  	s16 =	smul.u32 @!p1 $0x1E850, s16;
	s18 =	sshrl.u32 @!p1 s17, $0x3;
	s17 =	sand.u32 @!p1 $0x7, s17  }
0x2b: {  	s19 =	sand.u32 @!p1 $0x1000, s19;
	s18 =	sadd.s32 @!p1 s2, s18;
	s17 =	sshll.u32 @!p1 s17, $0x12  }
0x2c: {  	s16 =	sadd.s32 @!p1 s16, s18;
	s17 =	sor.u32 @!p1 $0x400, s17;
	s18 =	simm.s32 @!p1 $0x7A1400  }
0x2d: {  	[tilespmem:s19], [sflag:$0x1] =	stream.strided.gather @!p1 [hbm4b:s16+s17], $0x1000, s18, s17, $0x38;
	[tilespmem:$0x4100] =	vst v63  }
0x2e: {  	p1 =	seq.s32 s13, $0x0  }
0x2f: {  	p2 =	sge.u32 @!p1 s13, s7  }
0x30: {  	p1 =	por p1, p2  }
.Ltmp2:
0x31: {  	_ = 	snop;
	(pc) =	sbr.rel @p1 .LBB1_5-.Ltmp2, $1  }
0x32: {  	_ =	sdelay $0x3  }
0x33: {  	s16 =	simm.s32 $0x1  }
0x34: {  	_ =	swait.ge [sflag:s4], $0x1000;
	s16 =	simm.s32 @!p0 $0x0  }
0x35: {  	[sflag:s4] =	ssyncset.done $0x0;
	s17 =	sshll.u32 s16, $0xC  }
0x36: {  	[sflag:s4] =	ssyncadd.s32 $0xFFFFF000;
	s17 =	sor.u32 $0x40, s17  }
0x37: {  	s16 =	smul.u32 $0x4200, s16;
	v0 =	vld [tilespmem:s17+$0x30]  }
0x38: {  	v1 =	vld [tilespmem:s17+$0xFFFFFFD0]  }
0x39: {  	s16 =	sshrl.u32 s16, $0x2;
	v5 =	vld [tilespmem:s17+$0xFFFFFFE0]  }
0x3a: {  	v6 =	vld [tilespmem:s17+$0xFFFFFFF0];
	s19 =	sor.u32 $0x2000, s16  }
0x3b: {  	s31 =	sand.u32 $0x1, s13;
	v4 =	vld [tilespmem:s17+$0x0];
	s18 =	sadd.s32 $0x0, s19  }
0x3c: {  	v3 =	vld [tilespmem:s17+$0x10];
	s16 =	smul.u32 $0x4200, s31;
	[tilespmem:s18+$0xE70 ss:$0x21] =	vst.msk $0xffff, v0  }
0x3d: {  	v2 =	vld [tilespmem:s17+$0x20];
	[tilespmem:s18+$0x210 ss:$0x21] =	vst.msk $0xffff, v1  }
0x3e: {  	s16 =	sshrl.u32 s16, $0x2;
	v1 =	vld [tilespmem:s17+$0xFFFFFFC0];
	[tilespmem:s18+$0x420 ss:$0x21] =	vst.msk $0xffff, v5;
	s17 =	sadd.s32 $0x80, s17  }
0x3f: {  	s20 =	simm.s32 $0x4;
	s21 =	simm.s32 $0x8;
	s16 =	sor.u32 $0x2000, s16;
	[tilespmem:s18+$0x630 ss:$0x21] =	vst.msk $0xffff, v6;
	v0 =	vld [tilespmem:s17+$0x30]  }
.LBB1_3:
0x40: {  	p1 =	sne.s32 s21, $0x7C;
	v5 =	vld [tilespmem:s17+$0xFFFFFFD0];
	[tilespmem:s18+$0x840 ss:$0x21] =	vst.msk $0xffff, v4  }
0x41: {  	v6 =	vld [tilespmem:s17+$0xFFFFFFE0];
	[tilespmem:s18+$0xA50 ss:$0x21] =	vst.msk $0xffff, v3  }
0x42: {  	s22 =	sshra.s32 s20, $0x2;
	s20 =	smov.u32 s21;
	v7 =	vld [tilespmem:s17+$0xFFFFFFF0];
	[tilespmem:s18+$0xC60 ss:$0x21] =	vst.msk $0xffff, v2  }
.Ltmp3:
0x43: {  	v4 =	vld [tilespmem:s17+$0x0];
	[tilespmem:s18+$0x0 ss:$0x21] =	vst.msk $0xffff, v1;
	s18 =	sadd.s32 s22, s19;
	(pc) =	sbr.rel @p1 .LBB1_3-.Ltmp3, $4  }
0x44: {  	v3 =	vld [tilespmem:s17+$0x10];
	[tilespmem:s18+$0xE70 ss:$0x21] =	vst.msk $0xffff, v0  }
0x45: {  	[tilespmem:s18+$0x210 ss:$0x21] =	vst.msk $0xffff, v5;
	v2 =	vld [tilespmem:s17+$0x20]  }
0x46: {  	v1 =	vld [tilespmem:s17+$0xFFFFFFC0];
	[tilespmem:s18+$0x420 ss:$0x21] =	vst.msk $0xffff, v6;
	s17 =	sadd.s32 $0x80, s17  }
0x47: {  	s21 =	sadd.s32 $0x4, s21;
	v0 =	vld [tilespmem:s17+$0x30];
	[tilespmem:s18+$0x630 ss:$0x21] =	vst.msk $0xffff, v7  }
0x48: {  	s21 =	sshll.u32 s9, $0x7;
	s22 =	sshll.u32 s10, $0x3;
	s20 =	sshra.s32 s20, $0x2  }
0x49: {  	p1 =	sgt.s32 s9, $0xF41C0;
	s30 =	sshra.s32 s9, $0x1F;
	s25 =	sshra.s32 s10, $0x1F  }
0x4a: {  	v5 =	vld [tilespmem:s17+$0xFFFFFFD0];
	s28 =	sshrl.u32 s10, $0x3;
	s23 =	sand.u32 $0xFFFFFC00, s21;
	s22 =	sand.u32 $0xFFFFFC00, s22  }
0x4b: {  	[tilespmem:s18+$0x840 ss:$0x21] =	vst.msk $0xffff, v4;
	v58 =	vld [tilespmem:s17+$0xFFFFFFE0];
	s21 =	sand.u32 $0x380, s21;
	s19 =	sadd.s32 s20, s19;
	s22 =	sadd.s32 s22, s23  }
0x4c: {  	v59 =	vld [tilespmem:s17+$0xFFFFFFF0];
	[tilespmem:s18+$0xA50 ss:$0x21] =	vst.msk $0xffff, v3;
	s29 =	sor.u32 s21, s22;
	s21 =	smov.u32 s9;
	s22 =	sand.u32 s30, s9  }
0x4d: {  	v60 =	vld [tilespmem:s17+$0x0];
	[tilespmem:s18+$0xC60 ss:$0x21] =	vst.msk $0xffff, v2;
	s30 =	sand.u32 $0x7, s10;
	s20 =	sshrl.u32 s29, $0x7;
	s21 =	simm.s32 @!p1 $0xF41C0  }
0x4e: {  	v61 =	vld [tilespmem:s17+$0x10];
	[tilespmem:s18+$0x0 ss:$0x21] =	vst.msk $0xffff, v1;
	p1 =	sgt.s32 s10, $0x60;
	s24 =	ssub.s32 s21, s22;
	s21 =	smov.u32 s10  }
0x4f: {  	v62 =	vld [tilespmem:s17+$0x20];
	[tilespmem:s19+$0xE70 ss:$0x21] =	vst.msk $0xffff, v0;
	s31 =	smulhi.u32 $0x218DEF5, s20;
	s22 =	sand.u32 s25, s10;
	s21 =	simm.s32 @!p1 $0x60  }
0x50: {  	v63 =	vld [tilespmem:s17+$0xFFFFFFC0];
	[tilespmem:s19+$0x210 ss:$0x21] =	vst.msk $0xffff, v5;
	s26 =	sadd.s32 $0xFFF0BE40, s24;
	s17 =	ssub.s32 $0xF4240, s24;
	s21 =	ssub.s32 s21, s22  }
0x51: {  	[tilespmem:s19+$0x420 ss:$0x21] =	vst.msk $0xffff, v58;
	s23 =	sshrl.u32 s31, $0xD;
	p1 =	sgt.s32 s26, $0x7F;
	s27 =	sadd.s32 $0xFFFFFFA0, s21  }
0x52: {  	[tilespmem:s19+$0x630 ss:$0x21] =	vst.msk $0xffff, v59;
	s23 =	smul.u32 $0xF4240, s23;
	s18 =	ssub.s32 $0x80, s21;
	p2 =	sgt.s32 s27, $0x1F  }
.Ltmp4:
0x53: {  	[tilespmem:s19+$0x840 ss:$0x21] =	vst.msk $0xffff, v60;
	s17 =	simm.s32 @p1 $0x0;
	s18 =	simm.s32 @p2 $0x0;
	(pc) =	sbr.rel .LBB1_5-.Ltmp4, $4  }
0x54: {  	s29 =	sand.u32 $0xF, s28;
	[tilespmem:s19+$0xA50 ss:$0x21] =	vst.msk $0xffff, v61;
	s20 =	ssub.s32 s20, s23;
	s17 =	smul.u32 s18, s17  }
0x55: {  	[tilespmem:s19+$0xC60 ss:$0x21] =	vst.msk $0xffff, v62;
	s21 =	sshll.u32 s30, $0x12;
	s20 =	sshll.u32 s20, $0x4;
	s18 =	sadd.s32 s5, s29  }
0x56: {  	[tilespmem:s19+$0x0 ss:$0x21] =	vst.msk $0xffff, v63;
	s31 =	sor.u32 $0x20, s21;
	s18 =	sadd.s32 s20, s18;
	s17 =	sand.u32 $0x3FFFFFFF, s17  }
0x57: {  	[hbm4b:s18+s31] =	stream.strided.scatter [tilespmem:s16], [sflag:$0x2], s17, s8, s31, $0x10;
	[tilespmem:$0x4100] =	vst v63  }
.LBB1_6:
0x58: {  	_ =	sfence.sel $0x180000  }
0x59: {  	s2 =	simm.s32 $0x1;
	[bflag:$0x0] =	sbarrier.arrive $0xFFFF  }
0x5a: {  	s31 =	simm.s32 $0x2;
	[sflag:s2] =	ssyncpa.u1 $0x1  }
0x5b: {  	[sflag:s31] =	ssyncpa.u1 $0x1  }
0x5c: {  	p0 =	sne.s32 s1, $0x0;
	_ =	strace $0x90000047  }
0x5d: {  	s0 =	sadd.s32 @!p0 $0x100000, s0;
	[bflag:$0x2] =	sbarrier.arrive $0xFFFF  }
0x5e: {  	[sflag:s0] =	ssyncadd.tile.s32 @!p0 $0x1;
	_ =	shalt  }
.Lfunc_end1:
_tile_overlayer_lowered:
.L_overlay_start_2:
0x5f: {  	(tag) =	ssettag $0x2  }
0x60: {  	s0 =	rddreg [dreg:$0x0];
	s2 =	stileid.u32  }
0x61: {  	s1 =	rddreg [dreg:$0x1];
	p0 =	sne.s32 s2, $0x0  }
0x62: {  	s3 =	rddreg [dreg:$0x2];
	[bflag:$0x3] =	sbarrier.arrive $0xFFFF;
	s2 =	simm.s32 @!p0 $0x1C01  }
0x63: {  	[timem:s3], [sflag:s2] =	dma.local @!p0 [hbm:s0], s1  }
0x64: {  	s0 =	simm.s32 @!p0 $0x1  }
0x65: {  	_ =	swait.ge @!p0 [sflag:s0], s1  }
0x66: {  	s1 =	ssub.s32 @!p0 $0x0, s1;
	[sflag:s0] =	ssyncset.done @!p0 $0x0  }
0x67: {  	[sflag:s0] =	ssyncadd.s32 @!p0 s1  }
0x68: {  	[bflag:$0x3] =	sbarrier.arrive $0xFFFF  }
0x69: {  	_ =	shalt  }

// kernel: sparse-core-data-format-call.cloned.1.call-start
scs
called_computation_lowered:
.L_overlay_start_0:
0x0: {  	s2 =	sld [smem:$0x3FD9]  }
0x1: {  	s3 =	sld [smem:$0x3FFE];
	_ =	sdelay $0x1  }
0x2: {  	s1 =	srdreg.scid  }
0x3: {  	s0 =	sand.u32 $0x1, s1  }
0x4: {  	s18 =	sshll.u32 s0, $0xA;
	s2 =	sadd.s32 s3, s2  }
0x5: {  	s2 =	sadd.s32 s2, s18  }
0x6: {  	[smem:$0x3FC6] =	sst s2  }
0x7: {  	_ = 	snop  }
0x8: {  	s2 =	sld [smem:$0x3FD0];
	(tm) =	ssettm $0x1  }
0x9: {  	s19 =	sld [smem:$0x3FFB];
	_ =	sdelay $0x3  }
0xa: {  	_ =	strace s19  }
0xb: {  	s3 =	sld [smem:$0x3FFC];
	_ =	sdelay $0x3  }
0xc: {  	_ =	strace s3  }
0xd: {  	s3 =	sld [smem:$0x3FFD];
	_ =	sdelay $0x3  }
0xe: {  	_ =	strace s3  }
0xf: {  	_ =	strace $0x8FFFFFFF  }
0x10: {  	s20 =	sld [smem:$0x3FDB];
	_ =	sdelay $0x1  }
0x11: {  	s4 =	simm.s32 $_scs_section_size  }
0x12: {  	s5 =	simm.s32 $_size__tile_overlayer_lowered;
	s6 =	simm.s32 $_tile_overlayer_lowered  }
0x13: {  	s23 =	simm.s32 $0x1BFF;
	s22 =	sshll.u32 s6, $0x1;
	s3 =	sadd.s32 s4, s20  }
0x14: {  	s7 =	simm.s32 $0x0;
	s21 =	sshll.u32 s5, $0x1;
	s5 =	sadd.s32 s22, s3  }
0x15: {  	[timem:s7], [sflag:s23] =	dma.local [hbm:s5], s21  }
0x16: {  	_ =	swait.ge [sflag:s23], s21  }
0x17: {  	s4 =	ssub.s32 $0x0, s21;
	[sflag:s23] =	ssyncset.done $0x0  }
0x18: {  	[sflag:s23] =	ssyncadd.s32 s4;
	_ =	sdelay $0x1  }
0x19: {  	s24 =	simm.s32 $0x1B8B  }
0x1a: {  	_ =	swait.ge [sflag:s24], $0x1  }
0x1b: {  	[sflag:s24] =	ssyncset.done $0x0  }
0x1c: {  	s26 =	simm.s32 $0x1B8E;
	s25 =	sld [smem:$0x3FFE];
	[sflag:s24] =	ssyncadd.s32 $0xFFFFFFFF  }
0x1d: {  	s27 =	simm.s32 $execute0_lowered;
	[smem:$0x3FD2] =	sst s26  }
0x1e: {  	s5 =	sshll.u32 s27, $0x1;
	_ =	strace $0x8000004C;
	[dreg:$0x1] =	wrdreg $0xFFFFFFFF  }
0x1f: {  	s28 =	simm.s32 $_size_execute0_lowered;
	s3 =	sadd.s32 s3, s5;
	[dreg:$0x0] =	wrdreg $0x0  }
0x20: {  	s5 =	sshll.u32 s28, $0x1;
	[dreg:$0x2] =	wrdreg s3  }
0x21: {  	[dreg:$0x3] =	wrdreg s5  }
0x22: {  	[dreg:$0x4] =	wrdreg $0xC0  }
0x23: {  	_ =	task [dreg:s7], $0x5FFFF  }
0x24: {  	[dreg:$0x1] =	wrdreg $0xFFFFFFFF  }
0x25: {  	[dreg:$0x0] =	wrdreg $0x60  }
0x26: {  	[dreg:$0x2] =	wrdreg s25  }
0x27: {  	[dreg:$0x3] =	wrdreg s2  }
0x28: {  	[dreg:$0x4] =	wrdreg $0x9  }
0x29: {  	_ =	task.clear_ibuf [dreg:s7], $0x5FFFF;
	_ =	strace $0x9000004C  }
0x2a: {  	s29 =	simm.s32 $0x9;
	_ =	strace $0x8000004E  }
0x2b: {  	_ =	swait.ge [sflag:s29], $0x1  }
0x2c: {  	[sflag:s29] =	ssyncadd.s32 $0xFFFFFFFF  }
0x2d: {  	_ =	strace $0x9000004E  }
0x2e: {  	_ =	sfence  }
0x2f: {  	s30 =	sld [smem:$0x0];
	_ =	sdelay $0x2  }
0x30: {  	s31 =	sshll.u32 s1, $0xD;
	s1 =	sshrl.u32 s1, $0x2  }
0x31: {  	s3 =	sand.u32 $0x4000, s31;
	s1 =	sadd.s32 s1, s30  }
0x32: {  	s0 =	sor.u32 s3, s0;
	s1 =	sshll.u32 s1, $0x11  }
0x33: {  	s0 =	sor.u32 s1, s0  }
0x34: {  	s0 =	sadd.s32 $0x8F2B, s0  }
0x35: {  	[sflag:s0] =	ssyncadd.remote.s32 $0x1  }
0x36: {  	_ =	sfence.sel $0xFFFF  }
0x37: {  	[dreg:$0x0] =	wrdreg $0xFFFFFFFF;
	(pc) =	sbr.abs _section_cstart, $3  }
0x38: {  	[dreg:$0x1] =	wrdreg $0xFFFFFFFF  }
0x39: {  	_ =	task.clear_ibuf [dreg:s7], $0x2FFFF;
	_ =	strace $0x9FFFFFFF  }
0x3a: {  	(tm) =	ssettm $0x7FFFFFFF  }
0x3b: {  	_ =	shalt  }
tec
execute0_lowered:
.L_overlay_start_1:
0x0: {  	(tag) =	ssettag $0x1  }
0x1: {  	s0 =	srdreg.scid  }
0x2: {  	s1 =	sshll.u32 s0, $0x4  }
0x3: {  	s0 =	stileid.u32;
	s1 =	sand.u32 $0x10, s1  }
0x4: {  	s7 =	rddreg [dreg:$0x0];
	s1 =	sor.u32 s0, s1  }
0x5: {  	s4 =	simm.s32 $0x1;
	s8 =	simm.s32 $0x2;
	s2 =	sshll.u32 s1, $0x7  }
0x6: {  	s13 =	simm.s32 $0x0;
	s9 =	simm.s32 $0x20000;
	s1 =	ssub.s32 $0x4000, s2  }
0x7: {  	s14 =	simm.s32 $0x0;
	s11 =	simm.s32 $0x0;
	s3 =	sand.u32 $0xF80, s1  }
0x8: {  	s12 =	simm.s32 $0x0;
	s5 =	sshrl.u32 s1, $0xC;
	p0 =	sne.s32 s3, $0x0  }
.Ltmp0:
0x9: {  	s1 =	rddreg [dreg:$0x2];
	s4 =	simm.s32 @!p0 $0x0;
	(pc) =	sbr.rel .LBB1_1-.Ltmp0, $4  }
0xa: {  	s6 =	sadd.s32 $0xE00, s7;
	s3 =	rddreg [dreg:$0x1];
	s5 =	sadd.s32 s4, s5  }
0xb: {  	_ =	strace $0x8000004D;
	s4 =	simm.s32 $0x1;
	s5 =	smul.u32 $0xD, s5  }
0xc: {  	s7 =	sadd.s32 $0x40E00, s7;
	s10 =	smov.u32 s2;
	[sflag:s4] =	ssyncpa.u1 $0x0  }
0xd: {  	p0 =	por $0x0, $0x0;
	[sflag:s8] =	ssyncpa.u1 $0x0;
	s8 =	sadd.s32 $0x1, s5  }
.LBB1_7:
0xe: {  	s15 =	sadd.s32 $0x1000, s10  }
0xf: {  	s13 =	sadd.s32 $0x2, s11;
	s17 =	smov.u32 s11;
	p2 =	sgt.s32 s15, $0x3FFF  }
0x10: {  	s17 =	smov.u32 @p2 s13  }
0x11: {  	s15 =	smov.u32 @p2 s2;
	p2 =	sgt.s32 s17, $0x19  }
0x12: {  	s17 =	simm.s32 @p2 $0x0;
	p2 =	sne.s32 s12, s8  }
.Ltmp1:
0x13: {  	p1 =	slt.u32 s12, $0x2;
	(pc) =	sbr.rel @!p2 .LBB1_8-.Ltmp1, $4  }
0x14: {  	s16 =	simm.s32 @!p1 $0x2  }
0x15: {  	s14 =	smov.u32 s11;
	p0 =	por !p0, !p0;
	_ =	swait.ge @!p1 [sflag:s16], $0x2000  }
0x16: {  	s13 =	smov.u32 s10;
	[sflag:s16] =	ssyncset.done @!p1 $0x0;
	s10 =	smov.u32 s15  }
0x17: {  	s12 =	sadd.s32 $0x1, s12;
	[sflag:s16] =	ssyncadd.s32 @!p1 $0xFFFFE000;
	s11 =	smov.u32 s17  }
.LBB1_1:
0x18: {  	p1 =	sge.u32 s12, s5  }
0x19: {  	s15 =	sxor.u32 @!p1 $0xFFFFFFFF, s12;
	s16 =	sshll.u32 @!p1 s11, $0x12  }
0x1a: {  	s17 =	sshll.u32 @!p1 s10, $0x4;
	s19 =	simm.s32 @!p1 $0x20;
	s20 =	simm.s32 @!p1 $0x80  }
0x1b: {  	s15 =	sshll.u32 @!p1 s15, $0xD;
	s17 =	sand.u32 @!p1 $0x3FFF0, s17;
	s18 =	sadd.s32 @!p1 s6, s16  }
0x1c: {  	s16 =	sadd.s32 @!p1 s16, s7;
	s15 =	sand.u32 @!p1 $0x2000, s15;
	s18 =	sadd.s32 @!p1 s17, s18  }
0x1d: {  	[tilespmem:s15], [sflag:$0x1] =	stream.strided.gather @!p1 [hbm4b:s18+s19], $0x1000, s20, s19, $0x38;
	[tilespmem:$0x8080] =	vst v63  }
0x1e: {  	s31 =	sadd.s32 $0xFFFFFFFF, s12;
	s16 =	sadd.s32 @!p1 s17, s16;
	s15 =	sor.u32 @!p1 $0x1000, s15  }
0x1f: {  	[tilespmem:s15], [sflag:$0x1] =	stream.strided.gather @!p1 [hbm4b:s16+s19], $0x1000, s20, s19, $0x38;
	[tilespmem:$0x8080] =	vst v63  }
0x20: {  	p1 =	sge.u32 s31, s5  }
.Ltmp2:
0x21: {  	_ = 	snop;
	(pc) =	sbr.rel @p1 .LBB1_7-.Ltmp2, $1  }
0x22: {  	_ =	sdelay $0x3  }
0x23: {  	s15 =	simm.s32 $0x1;
	s17 =	sand.u32 $0x1, s12  }
0x24: {  	_ =	swait.ge [sflag:s4], $0x2000;
	s15 =	simm.s32 @!p0 $0x0;
	s17 =	smul.u32 $0x8100, s17  }
0x25: {  	p2 =	por $0x1, $0x1;
	[sflag:s4] =	ssyncset.done $0x0;
	s16 =	smul.u32 $0x8100, s15  }
0x26: {  	s18 =	sshll.u32 s15, $0xF;
	[sflag:s4] =	ssyncadd.s32 $0xFFFFE000;
	s30 =	sshrl.u32 s17, $0x2  }
0x27: {  	s31 =	sshrl.u32 s18, $0x2;
	s18 =	simm.s32 $0x0;
	s16 =	sshrl.u32 s16, $0x2  }
0x28: {  	s15 =	sor.u32 $0x4000, s30;
	s17 =	sadd.s32 $0x10, s31;
	s16 =	sor.u32 $0x4000, s16  }
.LBB1_3:
0x29: {  	s19 =	sshll.u32 s18, $0xC  }
0x2a: {  	s19 =	sand.u32 $0x3FFFF000, s19  }
0x2b: {  	s20 =	sadd.s32 s19, s17  }
0x2c: {  	s31 =	smul.u32 $0x4080, s18;
	v1 =	vld [tilespmem:s20+$0x0]  }
0x2d: {  	v0 =	vld [tilespmem:s20+$0xFFFFFFF0]  }
0x2e: {  	s18 =	sshra.s32 s31, $0x2  }
0x2f: {  	s18 =	sadd.s32 s18, s16  }
0x30: {  	s21 =	sadd.s32 $0x0, s18  }
0x31: {  	p1 =	por p2, p2;
	s19 =	simm.s32 $0x4;
	s20 =	sadd.s32 $0x20, s20;
	[tilespmem:s21+$0x810 ss:$0x81] =	vst.msk $0xffff, v1  }
.LBB1_4:
0x32: {  	v1 =	vld [tilespmem:s20+$0x0];
	p2 =	sne.s32 s19, $0x1FC;
	[tilespmem:s21+$0x0 ss:$0x81] =	vst.msk $0xffff, v0;
	s21 =	smov.u32 s19;
	s19 =	sadd.s32 $0x4, s19  }
.Ltmp3:
0x33: {  	v0 =	vld [tilespmem:s20+$0xFFFFFFF0];
	(pc) =	sbr.rel @p2 .LBB1_4-.Ltmp3, $4  }
0x34: {  	_ = 	snop  }
0x35: {  	s21 =	sshra.s32 s21, $0x2  }
0x36: {  	s21 =	sadd.s32 s21, s18  }
0x37: {  	s20 =	sadd.s32 $0x20, s20;
	[tilespmem:s21+$0x810 ss:$0x81] =	vst.msk $0xffff, v1  }
.Ltmp4:
0x38: {  	(pc) =	sbr.rel @p1 .LBB1_3-.Ltmp4, $2  }
0x39: {  	_ =	sdelay $0x2  }
0x3a: {  	[tilespmem:s21+$0x0 ss:$0x81] =	vst.msk $0xffff, v0;
	s18 =	simm.s32 $0x1;
	p2 =	por $0x0, $0x0  }
0x3b: {  	s16 =	sshll.u32 s13, $0x3;
	s17 =	sand.u32 $0x78, s13;
	s14 =	sshll.u32 s14, $0x10  }
.Ltmp5:
0x3c: {  	s30 =	sand.u32 $0xF800, s13;
	s16 =	sand.u32 $0x3C00, s16;
	(pc) =	sbr.rel .LBB1_7-.Ltmp5, $4  }
0x3d: {  	s31 =	sand.u32 $0x7, s13;
	s14 =	sadd.s32 s3, s14;
	s16 =	sor.u32 s17, s16  }
0x3e: {  	s13 =	sshll.u32 s31, $0x12;
	s14 =	sadd.s32 s30, s14;
	s16 =	sshrl.u32 s16, $0x3  }
0x3f: {  	s13 =	sor.u32 $0x400, s13;
	s14 =	sadd.s32 s16, s14  }
0x40: {  	[hbm4b:s14+s13] =	stream.strided.scatter [tilespmem:s15], [sflag:$0x2], $0x2000, s9, s13, $0x20;
	[tilespmem:$0x8080] =	vst v63  }
.LBB1_8:
0x41: {  	_ =	sfence.sel $0x180000  }
0x42: {  	s2 =	simm.s32 $0x1;
	[bflag:$0x0] =	sbarrier.arrive $0xFFFF  }
0x43: {  	s31 =	simm.s32 $0x2;
	[sflag:s2] =	ssyncpa.u1 $0x1  }
0x44: {  	[sflag:s31] =	ssyncpa.u1 $0x1  }
0x45: {  	p0 =	sne.s32 s0, $0x0;
	_ =	strace $0x9000004D  }
0x46: {  	s0 =	sadd.s32 @!p0 $0x100000, s1;
	[bflag:$0x2] =	sbarrier.arrive $0xFFFF  }
0x47: {  	[sflag:s0] =	ssyncadd.tile.s32 @!p0 $0x1;
	_ =	shalt  }
.Lfunc_end1:
_tile_overlayer_lowered:
.L_overlay_start_2:
0x48: {  	(tag) =	ssettag $0x2  }
0x49: {  	s0 =	rddreg [dreg:$0x0];
	s2 =	stileid.u32  }
0x4a: {  	s1 =	rddreg [dreg:$0x1];
	p0 =	sne.s32 s2, $0x0  }
0x4b: {  	s3 =	rddreg [dreg:$0x2];
	[bflag:$0x3] =	sbarrier.arrive $0xFFFF;
	s2 =	simm.s32 @!p0 $0x1C01  }
0x4c: {  	[timem:s3], [sflag:s2] =	dma.local @!p0 [hbm:s0], s1  }
0x4d: {  	s0 =	simm.s32 @!p0 $0x1  }
0x4e: {  	_ =	swait.ge @!p0 [sflag:s0], s1  }
0x4f: {  	s1 =	ssub.s32 @!p0 $0x0, s1;
	[sflag:s0] =	ssyncset.done @!p0 $0x0  }
0x50: {  	[sflag:s0] =	ssyncadd.s32 @!p0 s1  }
0x51: {  	[bflag:$0x3] =	sbarrier.arrive $0xFFFF  }
0x52: {  	_ =	shalt  }

</sc_bundles>
